<compile_context>
chip_gen: v7x
topology: tpu7x:2x2x1
jax: 0.10.2.dev20260603
libtpu: 0.0.44.dev20260713+nightly
codegen_flags: <defaults>
</compile_context>

<pallas_src>
import functools

import jax
import jax.numpy as jnp
from jax import lax
from jax.experimental import pallas as pl
from jax.experimental.pallas import tpu as pltpu
from jax.experimental.pallas import tpu_sc as plsc

N = 10000
NPAD = 10240
E = 320000
EPAD = 327680
ROWS2D = EPAD // 128
NC = 2
NS = 16
CH = 4
TPW = EPAD // (NC * NS) // (128 * CH)
RPT = NPAD // NS


def _seg_body_deg(z_hbm, src_hbm, dst_hbm, zz_hbm, zd_hbm, ones_hbm,
                  outz_hbm, outd_hbm, srcv, dstv, rowsv, onesv, accz, accd,
                  sem):
    cid = lax.axis_index("c")
    sid = lax.axis_index("s")
    wid = sid * NC + cid
    r0 = sid * RPT
    pltpu.sync_copy(zz_hbm.at[pl.ds(r0, RPT)], accz.at[pl.ds(r0, RPT)])
    pltpu.sync_copy(zd_hbm.at[pl.ds(r0, RPT)], accd.at[pl.ds(r0, RPT)])
    pltpu.sync_copy(ones_hbm, onesv)
    plsc.subcore_barrier()

    base_row = wid * (TPW * CH)

    def step(i, carry):
        rr = base_row + i * CH
        pltpu.sync_copy(src_hbm.at[pl.ds(rr, CH)], srcv)
        pltpu.sync_copy(dst_hbm.at[pl.ds(rr, CH)], dstv)
        cps = [pltpu.async_copy(z_hbm.at[srcv.at[j]], rowsv.at[j], sem)
               for j in range(CH)]
        for cp in cps:
            cp.wait()
        for j in range(CH):
            pltpu.sync_copy(rowsv.at[j], accz.at[dstv.at[j]], add=True)
            pltpu.sync_copy(onesv, accd.at[dstv.at[j]], add=True)
        return carry

    lax.fori_loop(0, TPW, step, 0)
    plsc.subcore_barrier()
    pltpu.sync_copy(accz.at[pl.ds(r0, RPT)], outz_hbm.at[cid, pl.ds(r0, RPT)])
    pltpu.sync_copy(accd.at[pl.ds(r0, RPT)], outd_hbm.at[cid, pl.ds(r0, RPT)])


def _seg_body(z_hbm, src_hbm, dst_hbm, zz_hbm, outz_hbm, srcv, dstv, rowsv,
              accz, sem):
    cid = lax.axis_index("c")
    sid = lax.axis_index("s")
    wid = sid * NC + cid
    r0 = sid * RPT
    pltpu.sync_copy(zz_hbm.at[pl.ds(r0, RPT)], accz.at[pl.ds(r0, RPT)])
    plsc.subcore_barrier()

    base_row = wid * (TPW * CH)

    def step(i, carry):
        rr = base_row + i * CH
        pltpu.sync_copy(src_hbm.at[pl.ds(rr, CH)], srcv)
        pltpu.sync_copy(dst_hbm.at[pl.ds(rr, CH)], dstv)
        cps = [pltpu.async_copy(z_hbm.at[srcv.at[j]], rowsv.at[j], sem)
               for j in range(CH)]
        for cp in cps:
            cp.wait()
        for j in range(CH):
            pltpu.sync_copy(rowsv.at[j], accz.at[dstv.at[j]], add=True)
        return carry

    lax.fori_loop(0, TPW, step, 0)
    plsc.subcore_barrier()
    pltpu.sync_copy(accz.at[pl.ds(r0, RPT)], outz_hbm.at[cid, pl.ds(r0, RPT)])


_SC_MESH = dict(core_axis_name="c", subcore_axis_name="s")

_seg_sum_deg = functools.partial(
    pl.kernel,
    out_type=[jax.ShapeDtypeStruct((NC, NPAD, 64), jnp.float32),
              jax.ShapeDtypeStruct((NC, NPAD, 16), jnp.float32)],
    mesh=plsc.VectorSubcoreMesh(**_SC_MESH),
    compiler_params=pltpu.CompilerParams(use_tc_tiling_on_sc=False),
    scratch_types=[pltpu.VMEM((CH, 128), jnp.int32),
                   pltpu.VMEM((CH, 128), jnp.int32),
                   pltpu.VMEM((CH, 128, 64), jnp.float32),
                   pltpu.VMEM((128, 16), jnp.float32),
                   pltpu.VMEM_SHARED((NPAD, 64), jnp.float32),
                   pltpu.VMEM_SHARED((NPAD, 16), jnp.float32),
                   pltpu.SemaphoreType.DMA],
)(_seg_body_deg)

_seg_sum = functools.partial(
    pl.kernel,
    out_type=[jax.ShapeDtypeStruct((NC, NPAD, 64), jnp.float32)],
    mesh=plsc.VectorSubcoreMesh(**_SC_MESH),
    compiler_params=pltpu.CompilerParams(use_tc_tiling_on_sc=False),
    scratch_types=[pltpu.VMEM((CH, 128), jnp.int32),
                   pltpu.VMEM((CH, 128), jnp.int32),
                   pltpu.VMEM((CH, 128, 64), jnp.float32),
                   pltpu.VMEM_SHARED((NPAD, 64), jnp.float32),
                   pltpu.SemaphoreType.DMA],
)(_seg_body)


def _proj0_body(x_ref, w_ref, z_ref, r_ref):
    y = jnp.dot(x_ref[...], w_ref[...], preferred_element_type=jnp.float32)
    z_ref[:N, :] = y[:, :64]
    z_ref[N:, :] = jnp.zeros((NPAD - N, 64), jnp.float32)
    r_ref[...] = y[:, 64:]


def _mid_body(pz_ref, pd_ref, r_ref, b_ref, g_ref, be_ref, w_ref,
              z_ref, r1_ref, deg_ref):
    agg = pz_ref[0, :N, :] + pz_ref[1, :N, :]
    deg = pd_ref[0, :N, 0:1] + pd_ref[1, :N, 0:1]
    degc = jnp.maximum(deg, 1.0)
    pre = agg / degc + b_ref[...] + r_ref[...]
    mu = jnp.mean(pre, axis=0, keepdims=True)
    var = jnp.mean((pre - mu) ** 2, axis=0, keepdims=True)
    h = (pre - mu) * lax.rsqrt(var + 1e-5) * g_ref[...] + be_ref[...]
    h = jnp.maximum(h, 0.0)
    y = jnp.dot(h, w_ref[...], preferred_element_type=jnp.float32)
    z_ref[:N, :] = y[:, :64]
    z_ref[N:, :] = jnp.zeros((NPAD - N, 64), jnp.float32)
    r1_ref[...] = y[:, 64:]
    deg_ref[...] = degc


def _out_body(pz_ref, deg_ref, r_ref, b_ref, g_ref, be_ref,
              bw_ref, ded_ref, bb_ref, o_ref):
    agg = pz_ref[0, :N, :] + pz_ref[1, :N, :]
    pre = agg / deg_ref[...] + b_ref[...] + r_ref[...]
    mu = jnp.mean(pre, axis=0, keepdims=True)
    var = jnp.mean((pre - mu) ** 2, axis=0, keepdims=True)
    h = (pre - mu) * lax.rsqrt(var + 1e-5) * g_ref[...] + be_ref[...]
    h = jnp.maximum(h, 0.0)
    t = jnp.dot(h, bw_ref[...], preferred_element_type=jnp.float32)
    s = lax.dot_general(t, ded_ref[...], (((1,), (1,)), ((), ())),
                        preferred_element_type=jnp.float32)
    o_ref[...] = jax.nn.sigmoid(s + bb_ref[...])


_proj0 = pl.pallas_call(
    _proj0_body,
    out_shape=[jax.ShapeDtypeStruct((NPAD, 64), jnp.float32),
               jax.ShapeDtypeStruct((N, 64), jnp.float32)],
)

_mid = pl.pallas_call(
    _mid_body,
    out_shape=[jax.ShapeDtypeStruct((NPAD, 64), jnp.float32),
               jax.ShapeDtypeStruct((N, 64), jnp.float32),
               jax.ShapeDtypeStruct((N, 1), jnp.float32)],
)

_outk = pl.pallas_call(
    _out_body,
    out_shape=jax.ShapeDtypeStruct((N, 8), jnp.float32),
)


def kernel(user_x, edge_index, W_l0, b_l0, W_r0, W_l1, b_l1, W_r1,
           gamma0, beta0, gamma1, beta1, ded_table, bil_W, bil_b):
    src = edge_index[0]
    dst = edge_index[1]
    npad_e = EPAD - E
    src_p = jnp.concatenate([src, jnp.zeros((npad_e,), jnp.int32)])
    dst_p = jnp.concatenate([dst, jnp.full((npad_e,), N, jnp.int32)])
    src2d = src_p.reshape(ROWS2D, 128)
    dst2d = dst_p.reshape(ROWS2D, 128)

    zz = jnp.zeros((NPAD, 64), jnp.float32)
    zd = jnp.zeros((NPAD, 16), jnp.float32)
    ones = jnp.ones((128, 16), jnp.float32)

    wcat0 = jnp.concatenate([W_l0, W_r0], axis=1)
    wcat1 = jnp.concatenate([W_l1, W_r1], axis=1)

    z0, r0 = _proj0(user_x, wcat0)
    pz0, pd = _seg_sum_deg(z0, src2d, dst2d, zz, zd, ones)
    z1, r1, degc = _mid(pz0, pd, r0, b_l0.reshape(1, 64),
                        gamma0.reshape(1, 64), beta0.reshape(1, 64), wcat1)
    pz1, = _seg_sum(z1, src2d, dst2d, zz)
    probs = _outk(pz1, degc, r1, b_l1.reshape(1, 64),
                  gamma1.reshape(1, 64), beta1.reshape(1, 64),
                  bil_W, ded_table, bil_b.reshape(1, 1))
    return probs

# --- scband reference (transcript-rebuilt; emitter-appended) ---
"""Pipeline reference for scband-gnnmodel-16698832847326 (READ-ONLY COPY).

The authoritative reference and input builder live on the scoring server;
editing this copy changes nothing except your own understanding.
"""

import jax, jax.numpy as jnp
import numpy as np

N_NODES = 10000
D_IN = 128
D_H = 64
N_DED = 8
N_EDGES = 320000


def setup_inputs(seed: int = 0) -> dict:
    key = jax.random.key(seed)
    ks = jax.random.split(key, 16)
    user_x = jax.random.normal(ks[0], (N_NODES, D_IN), dtype=jnp.float32)
    edge_index = jax.random.randint(ks[1], (2, N_EDGES), 0, N_NODES, dtype=jnp.int32)
    s_in = 1.0 / np.sqrt(D_IN)
    s_h = 1.0 / np.sqrt(D_H)
    W_l0 = jax.random.normal(ks[2], (D_IN, D_H), dtype=jnp.float32) * s_in
    b_l0 = jnp.zeros((D_H,), dtype=jnp.float32)
    W_r0 = jax.random.normal(ks[3], (D_IN, D_H), dtype=jnp.float32) * s_in
    W_l1 = jax.random.normal(ks[4], (D_H, D_H), dtype=jnp.float32) * s_h
    b_l1 = jnp.zeros((D_H,), dtype=jnp.float32)
    W_r1 = jax.random.normal(ks[5], (D_H, D_H), dtype=jnp.float32) * s_h
    gamma0 = jnp.ones((D_H,), dtype=jnp.float32)
    beta0 = jnp.zeros((D_H,), dtype=jnp.float32)
    gamma1 = jnp.ones((D_H,), dtype=jnp.float32)
    beta1 = jnp.zeros((D_H,), dtype=jnp.float32)
    ded_table = jax.random.normal(ks[6], (N_DED, D_H), dtype=jnp.float32)
    bil_W = jax.random.normal(ks[7], (D_H, D_H), dtype=jnp.float32) * s_h
    bil_b = jnp.zeros((1,), dtype=jnp.float32)
    return {
        'user_x': user_x, 'edge_index': edge_index,
        'W_l0': W_l0, 'b_l0': b_l0, 'W_r0': W_r0,
        'W_l1': W_l1, 'b_l1': b_l1, 'W_r1': W_r1,
        'gamma0': gamma0, 'beta0': beta0, 'gamma1': gamma1, 'beta1': beta1,
        'ded_table': ded_table, 'bil_W': bil_W, 'bil_b': bil_b,
    }


def _sage_layer(h, src, dst, W_l, b_l, W_r, n_nodes):
    # GraphSAGE mean aggregation: out_i = W_l * mean_{j->i} h_j + b_l + W_r * h_i
    msg = jnp.take(h, src, axis=0)
    agg = jax.ops.segment_sum(msg, dst, num_segments=n_nodes)
    deg = jax.ops.segment_sum(jnp.ones((src.shape[0],), dtype=h.dtype), dst, num_segments=n_nodes)
    mean = agg / jnp.maximum(deg, 1.0)[:, None]
    return mean @ W_l + b_l + h @ W_r


def _batchnorm(h, gamma, beta, eps=1e-5):
    mu = jnp.mean(h, axis=0)
    var = jnp.var(h, axis=0)
    return (h - mu) / jnp.sqrt(var + eps) * gamma + beta


def reference(user_x, edge_index, W_l0, b_l0, W_r0, W_l1, b_l1, W_r1,
              gamma0, beta0, gamma1, beta1, ded_table, bil_W, bil_b):
    src = edge_index[0]
    dst = edge_index[1]
    n = user_x.shape[0]
    h = _sage_layer(user_x, src, dst, W_l0, b_l0, W_r0, n)
    h = jax.nn.relu(_batchnorm(h, gamma0, beta0))
    h = _sage_layer(h, src, dst, W_l1, b_l1, W_r1, n)
    h = jax.nn.relu(_batchnorm(h, gamma1, beta1))
    # bilinear scoring against all deduction embeddings (out_features=1)
    # scores[u, d] = user_emb[u] @ bil_W @ ded_emb[d] + bil_b
    scores = jnp.einsum('ui,ij,dj->ud', h, bil_W, ded_table) + bil_b[0]
    probs = jax.nn.sigmoid(scores)
    return probs

if __name__ == "__main__":
    import jax
    _d = setup_inputs()
    print(jax.jit(kernel)(*tuple(_d.values())))

</pallas_src>

<mosaic_0001>
#map = affine_map<(d0, d1) -> (0, 0)>
#map1 = affine_map<(d0, d1) -> (0, 0, 0)>
module attributes {stable_mosaic.version = 14 : i64} {
  func.func @_seg_body_deg(%arg0: i32, %arg1: i32, %arg2: memref<10240x64xf32, #tpu.memory_space<hbm>>, %arg3: memref<2560x128xi32, #tpu.memory_space<hbm>>, %arg4: memref<2560x128xi32, #tpu.memory_space<hbm>>, %arg5: memref<10240x64xf32, #tpu.memory_space<hbm>>, %arg6: memref<10240x16xf32, #tpu.memory_space<hbm>>, %arg7: memref<128x16xf32, #tpu.memory_space<hbm>>, %arg8: memref<2x10240x64xf32, #tpu.memory_space<hbm>>, %arg9: memref<2x10240x16xf32, #tpu.memory_space<hbm>>, %arg10: memref<4x128xi32, #tpu.memory_space<vmem>>, %arg11: memref<4x128xi32, #tpu.memory_space<vmem>>, %arg12: memref<4x128x64xf32, #tpu.memory_space<vmem>>, %arg13: memref<128x16xf32, #tpu.memory_space<vmem>>, %arg14: memref<10240x64xf32, #tpu.memory_space<vmem_shared>>, %arg15: memref<10240x16xf32, #tpu.memory_space<vmem_shared>>, %arg16: memref<!tpu.dma_semaphore, #tpu.memory_space<semaphore_mem>>) attributes {dimension_semantics = [#tpu.dimension_semantics<core_parallel>, #tpu.dimension_semantics<subcore_parallel>], iteration_bounds = array<i64: 2, 16>, scalar_prefetch = 0 : i64, scratch_operands = 7 : i64, tpu.core_type = #tpu.core_type<sc_vector_subcore>, window_params = [{transform_indices = #map}, {transform_indices = #map}, {transform_indices = #map}, {transform_indices = #map}, {transform_indices = #map}, {transform_indices = #map}, {transform_indices = #map1}, {transform_indices = #map1}]} {
    %mul3A = arith.constant 2 : i32
    %mul3A_0 = arith.muli %arg1, %mul3A : i32
    %add3A = arith.addi %mul3A_0, %arg0 : i32
    %mul3A_1 = arith.constant 640 : i32
    %mul3A_2 = arith.muli %arg1, %mul3A_1 : i32
    "tpu.region"() ({
      %run_scoped3A = tpu.sem_alloc : memref<!tpu.dma_semaphore, #tpu.memory_space<semaphore_mem>>
      %dma_start3A = arith.constant 0 : i32
      %dma_start3A_11 = tpu.memref_slice %arg14[%mul3A_2, %dma_start3A] : memref<10240x64xf32, #tpu.memory_space<vmem_shared>> -> memref<640x64xf32, #tpu.memory_space<vmem_shared>>
      %dma_start3A_12 = arith.constant 0 : i32
      %dma_start3A_13 = tpu.memref_slice %arg5[%mul3A_2, %dma_start3A_12] : memref<10240x64xf32, #tpu.memory_space<hbm>> -> memref<640x64xf32, #tpu.memory_space<hbm>>
      tpu.enqueue_dma source(%dma_start3A_13 : memref<640x64xf32, #tpu.memory_space<hbm>>) target(%dma_start3A_11 : memref<640x64xf32, #tpu.memory_space<vmem_shared>>) target_semaphore(%run_scoped3A : memref<!tpu.dma_semaphore, #tpu.memory_space<semaphore_mem>>)
      %dma_wait3A = arith.constant 0 : i32
      %dma_wait3A_14 = tpu.memref_slice %arg14[%mul3A_2, %dma_wait3A] : memref<10240x64xf32, #tpu.memory_space<vmem_shared>> -> memref<640x64xf32, #tpu.memory_space<vmem_shared>>
      %dma_wait3A_15 = arith.constant 0 : i32
      %dma_wait3A_16 = tpu.memref_slice %arg5[%mul3A_2, %dma_wait3A_15] : memref<10240x64xf32, #tpu.memory_space<hbm>> -> memref<640x64xf32, #tpu.memory_space<hbm>>
      tpu.wait_dma2 semaphore(%run_scoped3A : memref<!tpu.dma_semaphore, #tpu.memory_space<semaphore_mem>>) src(%dma_wait3A_16 : memref<640x64xf32, #tpu.memory_space<hbm>>) dst(%dma_wait3A_14 : memref<640x64xf32, #tpu.memory_space<vmem_shared>>)
      tpu.yield
    }) : () -> ()
    "tpu.region"() ({
      %run_scoped3A = tpu.sem_alloc : memref<!tpu.dma_semaphore, #tpu.memory_space<semaphore_mem>>
      %dma_start3A = arith.constant 0 : i32
      %dma_start3A_11 = tpu.memref_slice %arg15[%mul3A_2, %dma_start3A] : memref<10240x16xf32, #tpu.memory_space<vmem_shared>> -> memref<640x16xf32, #tpu.memory_space<vmem_shared>>
      %dma_start3A_12 = arith.constant 0 : i32
      %dma_start3A_13 = tpu.memref_slice %arg6[%mul3A_2, %dma_start3A_12] : memref<10240x16xf32, #tpu.memory_space<hbm>> -> memref<640x16xf32, #tpu.memory_space<hbm>>
      tpu.enqueue_dma source(%dma_start3A_13 : memref<640x16xf32, #tpu.memory_space<hbm>>) target(%dma_start3A_11 : memref<640x16xf32, #tpu.memory_space<vmem_shared>>) target_semaphore(%run_scoped3A : memref<!tpu.dma_semaphore, #tpu.memory_space<semaphore_mem>>)
      %dma_wait3A = arith.constant 0 : i32
      %dma_wait3A_14 = tpu.memref_slice %arg15[%mul3A_2, %dma_wait3A] : memref<10240x16xf32, #tpu.memory_space<vmem_shared>> -> memref<640x16xf32, #tpu.memory_space<vmem_shared>>
      %dma_wait3A_15 = arith.constant 0 : i32
      %dma_wait3A_16 = tpu.memref_slice %arg6[%mul3A_2, %dma_wait3A_15] : memref<10240x16xf32, #tpu.memory_space<hbm>> -> memref<640x16xf32, #tpu.memory_space<hbm>>
      tpu.wait_dma2 semaphore(%run_scoped3A : memref<!tpu.dma_semaphore, #tpu.memory_space<semaphore_mem>>) src(%dma_wait3A_16 : memref<640x16xf32, #tpu.memory_space<hbm>>) dst(%dma_wait3A_14 : memref<640x16xf32, #tpu.memory_space<vmem_shared>>)
      tpu.yield
    }) : () -> ()
    "tpu.region"() ({
      %run_scoped3A = tpu.sem_alloc : memref<!tpu.dma_semaphore, #tpu.memory_space<semaphore_mem>>
      tpu.enqueue_dma source(%arg7 : memref<128x16xf32, #tpu.memory_space<hbm>>) target(%arg13 : memref<128x16xf32, #tpu.memory_space<vmem>>) target_semaphore(%run_scoped3A : memref<!tpu.dma_semaphore, #tpu.memory_space<semaphore_mem>>)
      tpu.wait_dma2 semaphore(%run_scoped3A : memref<!tpu.dma_semaphore, #tpu.memory_space<semaphore_mem>>) src(%arg7 : memref<128x16xf32, #tpu.memory_space<hbm>>) dst(%arg13 : memref<128x16xf32, #tpu.memory_space<vmem>>)
      tpu.yield
    }) : () -> ()
    %barrier3A = arith.constant 0 : index
    tpu.barrier barrier_id(%barrier3A)
    %mul3A_3 = arith.constant 80 : i32
    %mul3A_4 = arith.muli %add3A, %mul3A_3 : i32
    %scan3A = arith.constant 0 : i32
    %scan3A_5 = arith.constant 0 : i32
    %scan3A_6 = arith.constant 20 : i32
    %scan3A_7 = arith.addi %scan3A_5, %scan3A_6 : i32
    %scan3A_8 = arith.constant 1 : i32
    scf.for %scan3A_11 = %scan3A_5 to %scan3A_7 step %scan3A_8  : i32 {
      %mul3A_12 = arith.constant 4 : i32
      %mul3A_13 = arith.muli %scan3A_11, %mul3A_12 : i32
      %add3A_14 = arith.addi %mul3A_4, %mul3A_13 : i32
      "tpu.region"() ({
        %run_scoped3A_120 = tpu.sem_alloc : memref<!tpu.dma_semaphore, #tpu.memory_space<semaphore_mem>>
        %dma_start3A_121 = arith.constant 0 : i32
        %dma_start3A_122 = tpu.memref_slice %arg3[%add3A_14, %dma_start3A_121] : memref<2560x128xi32, #tpu.memory_space<hbm>> -> memref<4x128xi32, #tpu.memory_space<hbm>>
        %dma_start3A_123 = arith.constant 0 : i32
        %dma_start3A_124 = tpu.memref_slice %arg3[%add3A_14, %dma_start3A_123] : memref<2560x128xi32, #tpu.memory_space<hbm>> -> memref<4x128xi32, #tpu.memory_space<hbm>>
        tpu.enqueue_dma source(%dma_start3A_124 : memref<4x128xi32, #tpu.memory_space<hbm>>) target(%arg10 : memref<4x128xi32, #tpu.memory_space<vmem>>) target_semaphore(%run_scoped3A_120 : memref<!tpu.dma_semaphore, #tpu.memory_space<semaphore_mem>>)
        %dma_wait3A_125 = arith.constant 0 : i32
        %dma_wait3A_126 = tpu.memref_slice %arg3[%add3A_14, %dma_wait3A_125] : memref<2560x128xi32, #tpu.memory_space<hbm>> -> memref<4x128xi32, #tpu.memory_space<hbm>>
        %dma_wait3A_127 = arith.constant 0 : i32
        %dma_wait3A_128 = tpu.memref_slice %arg3[%add3A_14, %dma_wait3A_127] : memref<2560x128xi32, #tpu.memory_space<hbm>> -> memref<4x128xi32, #tpu.memory_space<hbm>>
        tpu.wait_dma2 semaphore(%run_scoped3A_120 : memref<!tpu.dma_semaphore, #tpu.memory_space<semaphore_mem>>) src(%dma_wait3A_128 : memref<4x128xi32, #tpu.memory_space<hbm>>) dst(%arg10 : memref<4x128xi32, #tpu.memory_space<vmem>>)
        tpu.yield
      }) : () -> ()
      "tpu.region"() ({
        %run_scoped3A_120 = tpu.sem_alloc : memref<!tpu.dma_semaphore, #tpu.memory_space<semaphore_mem>>
        %dma_start3A_121 = arith.constant 0 : i32
        %dma_start3A_122 = tpu.memref_slice %arg4[%add3A_14, %dma_start3A_121] : memref<2560x128xi32, #tpu.memory_space<hbm>> -> memref<4x128xi32, #tpu.memory_space<hbm>>
        %dma_start3A_123 = arith.constant 0 : i32
        %dma_start3A_124 = tpu.memref_slice %arg4[%add3A_14, %dma_start3A_123] : memref<2560x128xi32, #tpu.memory_space<hbm>> -> memref<4x128xi32, #tpu.memory_space<hbm>>
        tpu.enqueue_dma source(%dma_start3A_124 : memref<4x128xi32, #tpu.memory_space<hbm>>) target(%arg11 : memref<4x128xi32, #tpu.memory_space<vmem>>) target_semaphore(%run_scoped3A_120 : memref<!tpu.dma_semaphore, #tpu.memory_space<semaphore_mem>>)
        %dma_wait3A_125 = arith.constant 0 : i32
        %dma_wait3A_126 = tpu.memref_slice %arg4[%add3A_14, %dma_wait3A_125] : memref<2560x128xi32, #tpu.memory_space<hbm>> -> memref<4x128xi32, #tpu.memory_space<hbm>>
        %dma_wait3A_127 = arith.constant 0 : i32
        %dma_wait3A_128 = tpu.memref_slice %arg4[%add3A_14, %dma_wait3A_127] : memref<2560x128xi32, #tpu.memory_space<hbm>> -> memref<4x128xi32, #tpu.memory_space<hbm>>
        tpu.wait_dma2 semaphore(%run_scoped3A_120 : memref<!tpu.dma_semaphore, #tpu.memory_space<semaphore_mem>>) src(%dma_wait3A_128 : memref<4x128xi32, #tpu.memory_space<hbm>>) dst(%arg11 : memref<4x128xi32, #tpu.memory_space<vmem>>)
        tpu.yield
      }) : () -> ()
      %dma_start3A = arith.constant 0 : i32
      %dma_start3A_15 = arith.constant 0 : i32
      %dma_start3A_16 = arith.constant 0 : i32
      %dma_start3A_17 = arith.constant 0 : i32
      %dma_start3A_18 = tpu.memref_slice %arg12[%dma_start3A_15, %dma_start3A_16, %dma_start3A_17] : memref<4x128x64xf32, #tpu.memory_space<vmem>> -> memref<1x128x64xf32, #tpu.memory_space<vmem>>
      %dma_start3A_19 = tpu.memref_squeeze %dma_start3A_18 : memref<1x128x64xf32, #tpu.memory_space<vmem>> -> memref<128x64xf32, #tpu.memory_space<vmem>>
      %dma_start3A_20 = arith.constant 0 : i32
      %dma_start3A_21 = tpu.memref_slice %arg10[%dma_start3A, %dma_start3A_20] : memref<4x128xi32, #tpu.memory_space<vmem>> -> memref<1x128xi32, #tpu.memory_space<vmem>>
      %dma_start3A_22 = tpu.memref_squeeze %dma_start3A_21 : memref<1x128xi32, #tpu.memory_space<vmem>> -> memref<128xi32, #tpu.memory_space<vmem>>
      %dma_start3A_23 = arith.constant 0 : i32
      %dma_start3A_24 = arith.constant 0 : i32
      %dma_start3A_25 = tpu.memref_slice %arg2[%dma_start3A_23, %dma_start3A_24] : memref<10240x64xf32, #tpu.memory_space<hbm>> -> memref<10240x64xf32, #tpu.memory_space<hbm>>
      tpu.enqueue_indirect_dma source(%dma_start3A_25 : memref<10240x64xf32, #tpu.memory_space<hbm>>) target(%dma_start3A_19 : memref<128x64xf32, #tpu.memory_space<vmem>>) offsets(%dma_start3A_22 : memref<128xi32, #tpu.memory_space<vmem>>) semaphore(%arg16 : memref<!tpu.dma_semaphore, #tpu.memory_space<semaphore_mem>>)
      %dma_start3A_26 = arith.constant 1 : i32
      %dma_start3A_27 = arith.constant 1 : i32
      %dma_start3A_28 = arith.constant 0 : i32
      %dma_start3A_29 = arith.constant 0 : i32
      %dma_start3A_30 = tpu.memref_slice %arg12[%dma_start3A_27, %dma_start3A_28, %dma_start3A_29] : memref<4x128x64xf32, #tpu.memory_space<vmem>> -> memref<1x128x64xf32, #tpu.memory_space<vmem>>
      %dma_start3A_31 = tpu.memref_squeeze %dma_start3A_30 : memref<1x128x64xf32, #tpu.memory_space<vmem>> -> memref<128x64xf32, #tpu.memory_space<vmem>>
      %dma_start3A_32 = arith.constant 0 : i32
      %dma_start3A_33 = tpu.memref_slice %arg10[%dma_start3A_26, %dma_start3A_32] : memref<4x128xi32, #tpu.memory_space<vmem>> -> memref<1x128xi32, #tpu.memory_space<vmem>>
      %dma_start3A_34 = tpu.memref_squeeze %dma_start3A_33 : memref<1x128xi32, #tpu.memory_space<vmem>> -> memref<128xi32, #tpu.memory_space<vmem>>
      %dma_start3A_35 = arith.constant 0 : i32
      %dma_start3A_36 = arith.constant 0 : i32
      %dma_start3A_37 = tpu.memref_slice %arg2[%dma_start3A_35, %dma_start3A_36] : memref<10240x64xf32, #tpu.memory_space<hbm>> -> memref<10240x64xf32, #tpu.memory_space<hbm>>
      tpu.enqueue_indirect_dma source(%dma_start3A_37 : memref<10240x64xf32, #tpu.memory_space<hbm>>) target(%dma_start3A_31 : memref<128x64xf32, #tpu.memory_space<vmem>>) offsets(%dma_start3A_34 : memref<128xi32, #tpu.memory_space<vmem>>) semaphore(%arg16 : memref<!tpu.dma_semaphore, #tpu.memory_space<semaphore_mem>>)
      %dma_start3A_38 = arith.constant 2 : i32
      %dma_start3A_39 = arith.constant 2 : i32
      %dma_start3A_40 = arith.constant 0 : i32
      %dma_start3A_41 = arith.constant 0 : i32
      %dma_start3A_42 = tpu.memref_slice %arg12[%dma_start3A_39, %dma_start3A_40, %dma_start3A_41] : memref<4x128x64xf32, #tpu.memory_space<vmem>> -> memref<1x128x64xf32, #tpu.memory_space<vmem>>
      %dma_start3A_43 = tpu.memref_squeeze %dma_start3A_42 : memref<1x128x64xf32, #tpu.memory_space<vmem>> -> memref<128x64xf32, #tpu.memory_space<vmem>>
      %dma_start3A_44 = arith.constant 0 : i32
      %dma_start3A_45 = tpu.memref_slice %arg10[%dma_start3A_38, %dma_start3A_44] : memref<4x128xi32, #tpu.memory_space<vmem>> -> memref<1x128xi32, #tpu.memory_space<vmem>>
      %dma_start3A_46 = tpu.memref_squeeze %dma_start3A_45 : memref<1x128xi32, #tpu.memory_space<vmem>> -> memref<128xi32, #tpu.memory_space<vmem>>
      %dma_start3A_47 = arith.constant 0 : i32
      %dma_start3A_48 = arith.constant 0 : i32
      %dma_start3A_49 = tpu.memref_slice %arg2[%dma_start3A_47, %dma_start3A_48] : memref<10240x64xf32, #tpu.memory_space<hbm>> -> memref<10240x64xf32, #tpu.memory_space<hbm>>
      tpu.enqueue_indirect_dma source(%dma_start3A_49 : memref<10240x64xf32, #tpu.memory_space<hbm>>) target(%dma_start3A_43 : memref<128x64xf32, #tpu.memory_space<vmem>>) offsets(%dma_start3A_46 : memref<128xi32, #tpu.memory_space<vmem>>) semaphore(%arg16 : memref<!tpu.dma_semaphore, #tpu.memory_space<semaphore_mem>>)
      %dma_start3A_50 = arith.constant 3 : i32
      %dma_start3A_51 = arith.constant 3 : i32
      %dma_start3A_52 = arith.constant 0 : i32
      %dma_start3A_53 = arith.constant 0 : i32
      %dma_start3A_54 = tpu.memref_slice %arg12[%dma_start3A_51, %dma_start3A_52, %dma_start3A_53] : memref<4x128x64xf32, #tpu.memory_space<vmem>> -> memref<1x128x64xf32, #tpu.memory_space<vmem>>
      %dma_start3A_55 = tpu.memref_squeeze %dma_start3A_54 : memref<1x128x64xf32, #tpu.memory_space<vmem>> -> memref<128x64xf32, #tpu.memory_space<vmem>>
      %dma_start3A_56 = arith.constant 0 : i32
      %dma_start3A_57 = tpu.memref_slice %arg10[%dma_start3A_50, %dma_start3A_56] : memref<4x128xi32, #tpu.memory_space<vmem>> -> memref<1x128xi32, #tpu.memory_space<vmem>>
      %dma_start3A_58 = tpu.memref_squeeze %dma_start3A_57 : memref<1x128xi32, #tpu.memory_space<vmem>> -> memref<128xi32, #tpu.memory_space<vmem>>
      %dma_start3A_59 = arith.constant 0 : i32
      %dma_start3A_60 = arith.constant 0 : i32
      %dma_start3A_61 = tpu.memref_slice %arg2[%dma_start3A_59, %dma_start3A_60] : memref<10240x64xf32, #tpu.memory_space<hbm>> -> memref<10240x64xf32, #tpu.memory_space<hbm>>
      tpu.enqueue_indirect_dma source(%dma_start3A_61 : memref<10240x64xf32, #tpu.memory_space<hbm>>) target(%dma_start3A_55 : memref<128x64xf32, #tpu.memory_space<vmem>>) offsets(%dma_start3A_58 : memref<128xi32, #tpu.memory_space<vmem>>) semaphore(%arg16 : memref<!tpu.dma_semaphore, #tpu.memory_space<semaphore_mem>>)
      %dma_wait3A = arith.constant 0 : i32
      %dma_wait3A_62 = arith.constant 0 : i32
      %dma_wait3A_63 = arith.constant 0 : i32
      %dma_wait3A_64 = arith.constant 0 : i32
      %dma_wait3A_65 = tpu.memref_slice %arg12[%dma_wait3A_62, %dma_wait3A_63, %dma_wait3A_64] : memref<4x128x64xf32, #tpu.memory_space<vmem>> -> memref<1x128x64xf32, #tpu.memory_space<vmem>>
      %dma_wait3A_66 = tpu.memref_squeeze %dma_wait3A_65 : memref<1x128x64xf32, #tpu.memory_space<vmem>> -> memref<128x64xf32, #tpu.memory_space<vmem>>
      %dma_wait3A_67 = arith.constant 0 : i32
      %dma_wait3A_68 = tpu.memref_slice %arg10[%dma_wait3A, %dma_wait3A_67] : memref<4x128xi32, #tpu.memory_space<vmem>> -> memref<1x128xi32, #tpu.memory_space<vmem>>
      %dma_wait3A_69 = tpu.memref_squeeze %dma_wait3A_68 : memref<1x128xi32, #tpu.memory_space<vmem>> -> memref<128xi32, #tpu.memory_space<vmem>>
      %dma_wait3A_70 = arith.constant 0 : i32
      %dma_wait3A_71 = arith.constant 0 : i32
      %dma_wait3A_72 = tpu.memref_slice %arg2[%dma_wait3A_70, %dma_wait3A_71] : memref<10240x64xf32, #tpu.memory_space<hbm>> -> memref<10240x64xf32, #tpu.memory_space<hbm>>
      tpu.wait_indirect_dma semaphore(%arg16 : memref<!tpu.dma_semaphore, #tpu.memory_space<semaphore_mem>>) src(%dma_wait3A_72 : memref<10240x64xf32, #tpu.memory_space<hbm>>) dst(%dma_wait3A_66 : memref<128x64xf32, #tpu.memory_space<vmem>>)
      %dma_wait3A_73 = arith.constant 1 : i32
      %dma_wait3A_74 = arith.constant 1 : i32
      %dma_wait3A_75 = arith.constant 0 : i32
      %dma_wait3A_76 = arith.constant 0 : i32
      %dma_wait3A_77 = tpu.memref_slice %arg12[%dma_wait3A_74, %dma_wait3A_75, %dma_wait3A_76] : memref<4x128x64xf32, #tpu.memory_space<vmem>> -> memref<1x128x64xf32, #tpu.memory_space<vmem>>
      %dma_wait3A_78 = tpu.memref_squeeze %dma_wait3A_77 : memref<1x128x64xf32, #tpu.memory_space<vmem>> -> memref<128x64xf32, #tpu.memory_space<vmem>>
      %dma_wait3A_79 = arith.constant 0 : i32
      %dma_wait3A_80 = tpu.memref_slice %arg10[%dma_wait3A_73, %dma_wait3A_79] : memref<4x128xi32, #tpu.memory_space<vmem>> -> memref<1x128xi32, #tpu.memory_space<vmem>>
      %dma_wait3A_81 = tpu.memref_squeeze %dma_wait3A_80 : memref<1x128xi32, #tpu.memory_space<vmem>> -> memref<128xi32, #tpu.memory_space<vmem>>
      %dma_wait3A_82 = arith.constant 0 : i32
      %dma_wait3A_83 = arith.constant 0 : i32
      %dma_wait3A_84 = tpu.memref_slice %arg2[%dma_wait3A_82, %dma_wait3A_83] : memref<10240x64xf32, #tpu.memory_space<hbm>> -> memref<10240x64xf32, #tpu.memory_space<hbm>>
      tpu.wait_indirect_dma semaphore(%arg16 : memref<!tpu.dma_semaphore, #tpu.memory_space<semaphore_mem>>) src(%dma_wait3A_84 : memref<10240x64xf32, #tpu.memory_space<hbm>>) dst(%dma_wait3A_78 : memref<128x64xf32, #tpu.memory_space<vmem>>)
      %dma_wait3A_85 = arith.constant 2 : i32
      %dma_wait3A_86 = arith.constant 2 : i32
      %dma_wait3A_87 = arith.constant 0 : i32
      %dma_wait3A_88 = arith.constant 0 : i32
      %dma_wait3A_89 = tpu.memref_slice %arg12[%dma_wait3A_86, %dma_wait3A_87, %dma_wait3A_88] : memref<4x128x64xf32, #tpu.memory_space<vmem>> -> memref<1x128x64xf32, #tpu.memory_space<vmem>>
      %dma_wait3A_90 = tpu.memref_squeeze %dma_wait3A_89 : memref<1x128x64xf32, #tpu.memory_space<vmem>> -> memref<128x64xf32, #tpu.memory_space<vmem>>
      %dma_wait3A_91 = arith.constant 0 : i32
      %dma_wait3A_92 = tpu.memref_slice %arg10[%dma_wait3A_85, %dma_wait3A_91] : memref<4x128xi32, #tpu.memory_space<vmem>> -> memref<1x128xi32, #tpu.memory_space<vmem>>
      %dma_wait3A_93 = tpu.memref_squeeze %dma_wait3A_92 : memref<1x128xi32, #tpu.memory_space<vmem>> -> memref<128xi32, #tpu.memory_space<vmem>>
      %dma_wait3A_94 = arith.constant 0 : i32
      %dma_wait3A_95 = arith.constant 0 : i32
      %dma_wait3A_96 = tpu.memref_slice %arg2[%dma_wait3A_94, %dma_wait3A_95] : memref<10240x64xf32, #tpu.memory_space<hbm>> -> memref<10240x64xf32, #tpu.memory_space<hbm>>
      tpu.wait_indirect_dma semaphore(%arg16 : memref<!tpu.dma_semaphore, #tpu.memory_space<semaphore_mem>>) src(%dma_wait3A_96 : memref<10240x64xf32, #tpu.memory_space<hbm>>) dst(%dma_wait3A_90 : memref<128x64xf32, #tpu.memory_space<vmem>>)
      %dma_wait3A_97 = arith.constant 3 : i32
      %dma_wait3A_98 = arith.constant 3 : i32
      %dma_wait3A_99 = arith.constant 0 : i32
      %dma_wait3A_100 = arith.constant 0 : i32
      %dma_wait3A_101 = tpu.memref_slice %arg12[%dma_wait3A_98, %dma_wait3A_99, %dma_wait3A_100] : memref<4x128x64xf32, #tpu.memory_space<vmem>> -> memref<1x128x64xf32, #tpu.memory_space<vmem>>
      %dma_wait3A_102 = tpu.memref_squeeze %dma_wait3A_101 : memref<1x128x64xf32, #tpu.memory_space<vmem>> -> memref<128x64xf32, #tpu.memory_space<vmem>>
      %dma_wait3A_103 = arith.constant 0 : i32
      %dma_wait3A_104 = tpu.memref_slice %arg10[%dma_wait3A_97, %dma_wait3A_103] : memref<4x128xi32, #tpu.memory_space<vmem>> -> memref<1x128xi32, #tpu.memory_space<vmem>>
      %dma_wait3A_105 = tpu.memref_squeeze %dma_wait3A_104 : memref<1x128xi32, #tpu.memory_space<vmem>> -> memref<128xi32, #tpu.memory_space<vmem>>
      %dma_wait3A_106 = arith.constant 0 : i32
      %dma_wait3A_107 = arith.constant 0 : i32
      %dma_wait3A_108 = tpu.memref_slice %arg2[%dma_wait3A_106, %dma_wait3A_107] : memref<10240x64xf32, #tpu.memory_space<hbm>> -> memref<10240x64xf32, #tpu.memory_space<hbm>>
      tpu.wait_indirect_dma semaphore(%arg16 : memref<!tpu.dma_semaphore, #tpu.memory_space<semaphore_mem>>) src(%dma_wait3A_108 : memref<10240x64xf32, #tpu.memory_space<hbm>>) dst(%dma_wait3A_102 : memref<128x64xf32, #tpu.memory_space<vmem>>)
      %run_scoped3A = arith.constant 0 : i32
      %run_scoped3A_109 = arith.constant 0 : i32
      "tpu.region"() ({
        %run_scoped3A_120 = tpu.sem_alloc : memref<!tpu.dma_semaphore, #tpu.memory_space<semaphore_mem>>
        %dma_start3A_121 = arith.constant 0 : i32
        %dma_start3A_122 = arith.constant 0 : i32
        %dma_start3A_123 = tpu.memref_slice %arg12[%run_scoped3A, %dma_start3A_121, %dma_start3A_122] : memref<4x128x64xf32, #tpu.memory_space<vmem>> -> memref<1x128x64xf32, #tpu.memory_space<vmem>>
        %dma_start3A_124 = tpu.memref_squeeze %dma_start3A_123 : memref<1x128x64xf32, #tpu.memory_space<vmem>> -> memref<128x64xf32, #tpu.memory_space<vmem>>
        %dma_start3A_125 = arith.constant 0 : i32
        %dma_start3A_126 = tpu.memref_slice %arg11[%run_scoped3A_109, %dma_start3A_125] : memref<4x128xi32, #tpu.memory_space<vmem>> -> memref<1x128xi32, #tpu.memory_space<vmem>>
        %dma_start3A_127 = tpu.memref_squeeze %dma_start3A_126 : memref<1x128xi32, #tpu.memory_space<vmem>> -> memref<128xi32, #tpu.memory_space<vmem>>
        %dma_start3A_128 = arith.constant 0 : i32
        %dma_start3A_129 = arith.constant 0 : i32
        %dma_start3A_130 = tpu.memref_slice %arg14[%dma_start3A_128, %dma_start3A_129] : memref<10240x64xf32, #tpu.memory_space<vmem_shared>> -> memref<10240x64xf32, #tpu.memory_space<vmem_shared>>
        tpu.enqueue_indirect_dma source(%dma_start3A_124 : memref<128x64xf32, #tpu.memory_space<vmem>>) target(%dma_start3A_130 : memref<10240x64xf32, #tpu.memory_space<vmem_shared>>) offsets(%dma_start3A_127 : memref<128xi32, #tpu.memory_space<vmem>>) semaphore(%run_scoped3A_120 : memref<!tpu.dma_semaphore, #tpu.memory_space<semaphore_mem>>) {add = true}
        %dma_wait3A_131 = arith.constant 0 : i32
        %dma_wait3A_132 = arith.constant 0 : i32
        %dma_wait3A_133 = tpu.memref_slice %arg12[%run_scoped3A, %dma_wait3A_131, %dma_wait3A_132] : memref<4x128x64xf32, #tpu.memory_space<vmem>> -> memref<1x128x64xf32, #tpu.memory_space<vmem>>
        %dma_wait3A_134 = tpu.memref_squeeze %dma_wait3A_133 : memref<1x128x64xf32, #tpu.memory_space<vmem>> -> memref<128x64xf32, #tpu.memory_space<vmem>>
        %dma_wait3A_135 = arith.constant 0 : i32
        %dma_wait3A_136 = tpu.memref_slice %arg11[%run_scoped3A_109, %dma_wait3A_135] : memref<4x128xi32, #tpu.memory_space<vmem>> -> memref<1x128xi32, #tpu.memory_space<vmem>>
        %dma_wait3A_137 = tpu.memref_squeeze %dma_wait3A_136 : memref<1x128xi32, #tpu.memory_space<vmem>> -> memref<128xi32, #tpu.memory_space<vmem>>
        %dma_wait3A_138 = arith.constant 0 : i32
        %dma_wait3A_139 = arith.constant 0 : i32
        %dma_wait3A_140 = tpu.memref_slice %arg14[%dma_wait3A_138, %dma_wait3A_139] : memref<10240x64xf32, #tpu.memory_space<vmem_shared>> -> memref<10240x64xf32, #tpu.memory_space<vmem_shared>>
        tpu.wait_indirect_dma semaphore(%run_scoped3A_120 : memref<!tpu.dma_semaphore, #tpu.memory_space<semaphore_mem>>) src(%dma_wait3A_134 : memref<128x64xf32, #tpu.memory_space<vmem>>) dst(%dma_wait3A_140 : memref<10240x64xf32, #tpu.memory_space<vmem_shared>>)
        tpu.yield
      }) : () -> ()
      %run_scoped3A_110 = arith.constant 0 : i32
      "tpu.region"() ({
        %run_scoped3A_120 = tpu.sem_alloc : memref<!tpu.dma_semaphore, #tpu.memory_space<semaphore_mem>>
        %dma_start3A_121 = arith.constant 0 : i32
        %dma_start3A_122 = tpu.memref_slice %arg11[%run_scoped3A_110, %dma_start3A_121] : memref<4x128xi32, #tpu.memory_space<vmem>> -> memref<1x128xi32, #tpu.memory_space<vmem>>
        %dma_start3A_123 = tpu.memref_squeeze %dma_start3A_122 : memref<1x128xi32, #tpu.memory_space<vmem>> -> memref<128xi32, #tpu.memory_space<vmem>>
        %dma_start3A_124 = arith.constant 0 : i32
        %dma_start3A_125 = arith.constant 0 : i32
        %dma_start3A_126 = tpu.memref_slice %arg15[%dma_start3A_124, %dma_start3A_125] : memref<10240x16xf32, #tpu.memory_space<vmem_shared>> -> memref<10240x16xf32, #tpu.memory_space<vmem_shared>>
        tpu.enqueue_indirect_dma source(%arg13 : memref<128x16xf32, #tpu.memory_space<vmem>>) target(%dma_start3A_126 : memref<10240x16xf32, #tpu.memory_space<vmem_shared>>) offsets(%dma_start3A_123 : memref<128xi32, #tpu.memory_space<vmem>>) semaphore(%run_scoped3A_120 : memref<!tpu.dma_semaphore, #tpu.memory_space<semaphore_mem>>) {add = true}
        %dma_wait3A_127 = arith.constant 0 : i32
        %dma_wait3A_128 = tpu.memref_slice %arg11[%run_scoped3A_110, %dma_wait3A_127] : memref<4x128xi32, #tpu.memory_space<vmem>> -> memref<1x128xi32, #tpu.memory_space<vmem>>
        %dma_wait3A_129 = tpu.memref_squeeze %dma_wait3A_128 : memref<1x128xi32, #tpu.memory_space<vmem>> -> memref<128xi32, #tpu.memory_space<vmem>>
        %dma_wait3A_130 = arith.constant 0 : i32
        %dma_wait3A_131 = arith.constant 0 : i32
        %dma_wait3A_132 = tpu.memref_slice %arg15[%dma_wait3A_130, %dma_wait3A_131] : memref<10240x16xf32, #tpu.memory_space<vmem_shared>> -> memref<10240x16xf32, #tpu.memory_space<vmem_shared>>
        tpu.wait_indirect_dma semaphore(%run_scoped3A_120 : memref<!tpu.dma_semaphore, #tpu.memory_space<semaphore_mem>>) src(%arg13 : memref<128x16xf32, #tpu.memory_space<vmem>>) dst(%dma_wait3A_132 : memref<10240x16xf32, #tpu.memory_space<vmem_shared>>)
        tpu.yield
      }) : () -> ()
      %run_scoped3A_111 = arith.constant 1 : i32
      %run_scoped3A_112 = arith.constant 1 : i32
      "tpu.region"() ({
        %run_scoped3A_120 = tpu.sem_alloc : memref<!tpu.dma_semaphore, #tpu.memory_space<semaphore_mem>>
        %dma_start3A_121 = arith.constant 0 : i32
        %dma_start3A_122 = arith.constant 0 : i32
        %dma_start3A_123 = tpu.memref_slice %arg12[%run_scoped3A_111, %dma_start3A_121, %dma_start3A_122] : memref<4x128x64xf32, #tpu.memory_space<vmem>> -> memref<1x128x64xf32, #tpu.memory_space<vmem>>
        %dma_start3A_124 = tpu.memref_squeeze %dma_start3A_123 : memref<1x128x64xf32, #tpu.memory_space<vmem>> -> memref<128x64xf32, #tpu.memory_space<vmem>>
        %dma_start3A_125 = arith.constant 0 : i32
        %dma_start3A_126 = tpu.memref_slice %arg11[%run_scoped3A_112, %dma_start3A_125] : memref<4x128xi32, #tpu.memory_space<vmem>> -> memref<1x128xi32, #tpu.memory_space<vmem>>
        %dma_start3A_127 = tpu.memref_squeeze %dma_start3A_126 : memref<1x128xi32, #tpu.memory_space<vmem>> -> memref<128xi32, #tpu.memory_space<vmem>>
        %dma_start3A_128 = arith.constant 0 : i32
        %dma_start3A_129 = arith.constant 0 : i32
        %dma_start3A_130 = tpu.memref_slice %arg14[%dma_start3A_128, %dma_start3A_129] : memref<10240x64xf32, #tpu.memory_space<vmem_shared>> -> memref<10240x64xf32, #tpu.memory_space<vmem_shared>>
        tpu.enqueue_indirect_dma source(%dma_start3A_124 : memref<128x64xf32, #tpu.memory_space<vmem>>) target(%dma_start3A_130 : memref<10240x64xf32, #tpu.memory_space<vmem_shared>>) offsets(%dma_start3A_127 : memref<128xi32, #tpu.memory_space<vmem>>) semaphore(%run_scoped3A_120 : memref<!tpu.dma_semaphore, #tpu.memory_space<semaphore_mem>>) {add = true}
        %dma_wait3A_131 = arith.constant 0 : i32
        %dma_wait3A_132 = arith.constant 0 : i32
        %dma_wait3A_133 = tpu.memref_slice %arg12[%run_scoped3A_111, %dma_wait3A_131, %dma_wait3A_132] : memref<4x128x64xf32, #tpu.memory_space<vmem>> -> memref<1x128x64xf32, #tpu.memory_space<vmem>>
        %dma_wait3A_134 = tpu.memref_squeeze %dma_wait3A_133 : memref<1x128x64xf32, #tpu.memory_space<vmem>> -> memref<128x64xf32, #tpu.memory_space<vmem>>
        %dma_wait3A_135 = arith.constant 0 : i32
        %dma_wait3A_136 = tpu.memref_slice %arg11[%run_scoped3A_112, %dma_wait3A_135] : memref<4x128xi32, #tpu.memory_space<vmem>> -> memref<1x128xi32, #tpu.memory_space<vmem>>
        %dma_wait3A_137 = tpu.memref_squeeze %dma_wait3A_136 : memref<1x128xi32, #tpu.memory_space<vmem>> -> memref<128xi32, #tpu.memory_space<vmem>>
        %dma_wait3A_138 = arith.constant 0 : i32
        %dma_wait3A_139 = arith.constant 0 : i32
        %dma_wait3A_140 = tpu.memref_slice %arg14[%dma_wait3A_138, %dma_wait3A_139] : memref<10240x64xf32, #tpu.memory_space<vmem_shared>> -> memref<10240x64xf32, #tpu.memory_space<vmem_shared>>
        tpu.wait_indirect_dma semaphore(%run_scoped3A_120 : memref<!tpu.dma_semaphore, #tpu.memory_space<semaphore_mem>>) src(%dma_wait3A_134 : memref<128x64xf32, #tpu.memory_space<vmem>>) dst(%dma_wait3A_140 : memref<10240x64xf32, #tpu.memory_space<vmem_shared>>)
        tpu.yield
      }) : () -> ()
      %run_scoped3A_113 = arith.constant 1 : i32
      "tpu.region"() ({
        %run_scoped3A_120 = tpu.sem_alloc : memref<!tpu.dma_semaphore, #tpu.memory_space<semaphore_mem>>
        %dma_start3A_121 = arith.constant 0 : i32
        %dma_start3A_122 = tpu.memref_slice %arg11[%run_scoped3A_113, %dma_start3A_121] : memref<4x128xi32, #tpu.memory_space<vmem>> -> memref<1x128xi32, #tpu.memory_space<vmem>>
        %dma_start3A_123 = tpu.memref_squeeze %dma_start3A_122 : memref<1x128xi32, #tpu.memory_space<vmem>> -> memref<128xi32, #tpu.memory_space<vmem>>
        %dma_start3A_124 = arith.constant 0 : i32
        %dma_start3A_125 = arith.constant 0 : i32
        %dma_start3A_126 = tpu.memref_slice %arg15[%dma_start3A_124, %dma_start3A_125] : memref<10240x16xf32, #tpu.memory_space<vmem_shared>> -> memref<10240x16xf32, #tpu.memory_space<vmem_shared>>
        tpu.enqueue_indirect_dma source(%arg13 : memref<128x16xf32, #tpu.memory_space<vmem>>) target(%dma_start3A_126 : memref<10240x16xf32, #tpu.memory_space<vmem_shared>>) offsets(%dma_start3A_123 : memref<128xi32, #tpu.memory_space<vmem>>) semaphore(%run_scoped3A_120 : memref<!tpu.dma_semaphore, #tpu.memory_space<semaphore_mem>>) {add = true}
        %dma_wait3A_127 = arith.constant 0 : i32
        %dma_wait3A_128 = tpu.memref_slice %arg11[%run_scoped3A_113, %dma_wait3A_127] : memref<4x128xi32, #tpu.memory_space<vmem>> -> memref<1x128xi32, #tpu.memory_space<vmem>>
        %dma_wait3A_129 = tpu.memref_squeeze %dma_wait3A_128 : memref<1x128xi32, #tpu.memory_space<vmem>> -> memref<128xi32, #tpu.memory_space<vmem>>
        %dma_wait3A_130 = arith.constant 0 : i32
        %dma_wait3A_131 = arith.constant 0 : i32
        %dma_wait3A_132 = tpu.memref_slice %arg15[%dma_wait3A_130, %dma_wait3A_131] : memref<10240x16xf32, #tpu.memory_space<vmem_shared>> -> memref<10240x16xf32, #tpu.memory_space<vmem_shared>>
        tpu.wait_indirect_dma semaphore(%run_scoped3A_120 : memref<!tpu.dma_semaphore, #tpu.memory_space<semaphore_mem>>) src(%arg13 : memref<128x16xf32, #tpu.memory_space<vmem>>) dst(%dma_wait3A_132 : memref<10240x16xf32, #tpu.memory_space<vmem_shared>>)
        tpu.yield
      }) : () -> ()
      %run_scoped3A_114 = arith.constant 2 : i32
      %run_scoped3A_115 = arith.constant 2 : i32
      "tpu.region"() ({
        %run_scoped3A_120 = tpu.sem_alloc : memref<!tpu.dma_semaphore, #tpu.memory_space<semaphore_mem>>
        %dma_start3A_121 = arith.constant 0 : i32
        %dma_start3A_122 = arith.constant 0 : i32
        %dma_start3A_123 = tpu.memref_slice %arg12[%run_scoped3A_114, %dma_start3A_121, %dma_start3A_122] : memref<4x128x64xf32, #tpu.memory_space<vmem>> -> memref<1x128x64xf32, #tpu.memory_space<vmem>>
        %dma_start3A_124 = tpu.memref_squeeze %dma_start3A_123 : memref<1x128x64xf32, #tpu.memory_space<vmem>> -> memref<128x64xf32, #tpu.memory_space<vmem>>
        %dma_start3A_125 = arith.constant 0 : i32
        %dma_start3A_126 = tpu.memref_slice %arg11[%run_scoped3A_115, %dma_start3A_125] : memref<4x128xi32, #tpu.memory_space<vmem>> -> memref<1x128xi32, #tpu.memory_space<vmem>>
        %dma_start3A_127 = tpu.memref_squeeze %dma_start3A_126 : memref<1x128xi32, #tpu.memory_space<vmem>> -> memref<128xi32, #tpu.memory_space<vmem>>
        %dma_start3A_128 = arith.constant 0 : i32
        %dma_start3A_129 = arith.constant 0 : i32
        %dma_start3A_130 = tpu.memref_slice %arg14[%dma_start3A_128, %dma_start3A_129] : memref<10240x64xf32, #tpu.memory_space<vmem_shared>> -> memref<10240x64xf32, #tpu.memory_space<vmem_shared>>
        tpu.enqueue_indirect_dma source(%dma_start3A_124 : memref<128x64xf32, #tpu.memory_space<vmem>>) target(%dma_start3A_130 : memref<10240x64xf32, #tpu.memory_space<vmem_shared>>) offsets(%dma_start3A_127 : memref<128xi32, #tpu.memory_space<vmem>>) semaphore(%run_scoped3A_120 : memref<!tpu.dma_semaphore, #tpu.memory_space<semaphore_mem>>) {add = true}
        %dma_wait3A_131 = arith.constant 0 : i32
        %dma_wait3A_132 = arith.constant 0 : i32
        %dma_wait3A_133 = tpu.memref_slice %arg12[%run_scoped3A_114, %dma_wait3A_131, %dma_wait3A_132] : memref<4x128x64xf32, #tpu.memory_space<vmem>> -> memref<1x128x64xf32, #tpu.memory_space<vmem>>
        %dma_wait3A_134 = tpu.memref_squeeze %dma_wait3A_133 : memref<1x128x64xf32, #tpu.memory_space<vmem>> -> memref<128x64xf32, #tpu.memory_space<vmem>>
        %dma_wait3A_135 = arith.constant 0 : i32
        %dma_wait3A_136 = tpu.memref_slice %arg11[%run_scoped3A_115, %dma_wait3A_135] : memref<4x128xi32, #tpu.memory_space<vmem>> -> memref<1x128xi32, #tpu.memory_space<vmem>>
        %dma_wait3A_137 = tpu.memref_squeeze %dma_wait3A_136 : memref<1x128xi32, #tpu.memory_space<vmem>> -> memref<128xi32, #tpu.memory_space<vmem>>
        %dma_wait3A_138 = arith.constant 0 : i32
        %dma_wait3A_139 = arith.constant 0 : i32
        %dma_wait3A_140 = tpu.memref_slice %arg14[%dma_wait3A_138, %dma_wait3A_139] : memref<10240x64xf32, #tpu.memory_space<vmem_shared>> -> memref<10240x64xf32, #tpu.memory_space<vmem_shared>>
        tpu.wait_indirect_dma semaphore(%run_scoped3A_120 : memref<!tpu.dma_semaphore, #tpu.memory_space<semaphore_mem>>) src(%dma_wait3A_134 : memref<128x64xf32, #tpu.memory_space<vmem>>) dst(%dma_wait3A_140 : memref<10240x64xf32, #tpu.memory_space<vmem_shared>>)
        tpu.yield
      }) : () -> ()
      %run_scoped3A_116 = arith.constant 2 : i32
      "tpu.region"() ({
        %run_scoped3A_120 = tpu.sem_alloc : memref<!tpu.dma_semaphore, #tpu.memory_space<semaphore_mem>>
        %dma_start3A_121 = arith.constant 0 : i32
        %dma_start3A_122 = tpu.memref_slice %arg11[%run_scoped3A_116, %dma_start3A_121] : memref<4x128xi32, #tpu.memory_space<vmem>> -> memref<1x128xi32, #tpu.memory_space<vmem>>
        %dma_start3A_123 = tpu.memref_squeeze %dma_start3A_122 : memref<1x128xi32, #tpu.memory_space<vmem>> -> memref<128xi32, #tpu.memory_space<vmem>>
        %dma_start3A_124 = arith.constant 0 : i32
        %dma_start3A_125 = arith.constant 0 : i32
        %dma_start3A_126 = tpu.memref_slice %arg15[%dma_start3A_124, %dma_start3A_125] : memref<10240x16xf32, #tpu.memory_space<vmem_shared>> -> memref<10240x16xf32, #tpu.memory_space<vmem_shared>>
        tpu.enqueue_indirect_dma source(%arg13 : memref<128x16xf32, #tpu.memory_space<vmem>>) target(%dma_start3A_126 : memref<10240x16xf32, #tpu.memory_space<vmem_shared>>) offsets(%dma_start3A_123 : memref<128xi32, #tpu.memory_space<vmem>>) semaphore(%run_scoped3A_120 : memref<!tpu.dma_semaphore, #tpu.memory_space<semaphore_mem>>) {add = true}
        %dma_wait3A_127 = arith.constant 0 : i32
        %dma_wait3A_128 = tpu.memref_slice %arg11[%run_scoped3A_116, %dma_wait3A_127] : memref<4x128xi32, #tpu.memory_space<vmem>> -> memref<1x128xi32, #tpu.memory_space<vmem>>
        %dma_wait3A_129 = tpu.memref_squeeze %dma_wait3A_128 : memref<1x128xi32, #tpu.memory_space<vmem>> -> memref<128xi32, #tpu.memory_space<vmem>>
        %dma_wait3A_130 = arith.constant 0 : i32
        %dma_wait3A_131 = arith.constant 0 : i32
        %dma_wait3A_132 = tpu.memref_slice %arg15[%dma_wait3A_130, %dma_wait3A_131] : memref<10240x16xf32, #tpu.memory_space<vmem_shared>> -> memref<10240x16xf32, #tpu.memory_space<vmem_shared>>
        tpu.wait_indirect_dma semaphore(%run_scoped3A_120 : memref<!tpu.dma_semaphore, #tpu.memory_space<semaphore_mem>>) src(%arg13 : memref<128x16xf32, #tpu.memory_space<vmem>>) dst(%dma_wait3A_132 : memref<10240x16xf32, #tpu.memory_space<vmem_shared>>)
        tpu.yield
      }) : () -> ()
      %run_scoped3A_117 = arith.constant 3 : i32
      %run_scoped3A_118 = arith.constant 3 : i32
      "tpu.region"() ({
        %run_scoped3A_120 = tpu.sem_alloc : memref<!tpu.dma_semaphore, #tpu.memory_space<semaphore_mem>>
        %dma_start3A_121 = arith.constant 0 : i32
        %dma_start3A_122 = arith.constant 0 : i32
        %dma_start3A_123 = tpu.memref_slice %arg12[%run_scoped3A_117, %dma_start3A_121, %dma_start3A_122] : memref<4x128x64xf32, #tpu.memory_space<vmem>> -> memref<1x128x64xf32, #tpu.memory_space<vmem>>
        %dma_start3A_124 = tpu.memref_squeeze %dma_start3A_123 : memref<1x128x64xf32, #tpu.memory_space<vmem>> -> memref<128x64xf32, #tpu.memory_space<vmem>>
        %dma_start3A_125 = arith.constant 0 : i32
        %dma_start3A_126 = tpu.memref_slice %arg11[%run_scoped3A_118, %dma_start3A_125] : memref<4x128xi32, #tpu.memory_space<vmem>> -> memref<1x128xi32, #tpu.memory_space<vmem>>
        %dma_start3A_127 = tpu.memref_squeeze %dma_start3A_126 : memref<1x128xi32, #tpu.memory_space<vmem>> -> memref<128xi32, #tpu.memory_space<vmem>>
        %dma_start3A_128 = arith.constant 0 : i32
        %dma_start3A_129 = arith.constant 0 : i32
        %dma_start3A_130 = tpu.memref_slice %arg14[%dma_start3A_128, %dma_start3A_129] : memref<10240x64xf32, #tpu.memory_space<vmem_shared>> -> memref<10240x64xf32, #tpu.memory_space<vmem_shared>>
        tpu.enqueue_indirect_dma source(%dma_start3A_124 : memref<128x64xf32, #tpu.memory_space<vmem>>) target(%dma_start3A_130 : memref<10240x64xf32, #tpu.memory_space<vmem_shared>>) offsets(%dma_start3A_127 : memref<128xi32, #tpu.memory_space<vmem>>) semaphore(%run_scoped3A_120 : memref<!tpu.dma_semaphore, #tpu.memory_space<semaphore_mem>>) {add = true}
        %dma_wait3A_131 = arith.constant 0 : i32
        %dma_wait3A_132 = arith.constant 0 : i32
        %dma_wait3A_133 = tpu.memref_slice %arg12[%run_scoped3A_117, %dma_wait3A_131, %dma_wait3A_132] : memref<4x128x64xf32, #tpu.memory_space<vmem>> -> memref<1x128x64xf32, #tpu.memory_space<vmem>>
        %dma_wait3A_134 = tpu.memref_squeeze %dma_wait3A_133 : memref<1x128x64xf32, #tpu.memory_space<vmem>> -> memref<128x64xf32, #tpu.memory_space<vmem>>
        %dma_wait3A_135 = arith.constant 0 : i32
        %dma_wait3A_136 = tpu.memref_slice %arg11[%run_scoped3A_118, %dma_wait3A_135] : memref<4x128xi32, #tpu.memory_space<vmem>> -> memref<1x128xi32, #tpu.memory_space<vmem>>
        %dma_wait3A_137 = tpu.memref_squeeze %dma_wait3A_136 : memref<1x128xi32, #tpu.memory_space<vmem>> -> memref<128xi32, #tpu.memory_space<vmem>>
        %dma_wait3A_138 = arith.constant 0 : i32
        %dma_wait3A_139 = arith.constant 0 : i32
        %dma_wait3A_140 = tpu.memref_slice %arg14[%dma_wait3A_138, %dma_wait3A_139] : memref<10240x64xf32, #tpu.memory_space<vmem_shared>> -> memref<10240x64xf32, #tpu.memory_space<vmem_shared>>
        tpu.wait_indirect_dma semaphore(%run_scoped3A_120 : memref<!tpu.dma_semaphore, #tpu.memory_space<semaphore_mem>>) src(%dma_wait3A_134 : memref<128x64xf32, #tpu.memory_space<vmem>>) dst(%dma_wait3A_140 : memref<10240x64xf32, #tpu.memory_space<vmem_shared>>)
        tpu.yield
      }) : () -> ()
      %run_scoped3A_119 = arith.constant 3 : i32
      "tpu.region"() ({
        %run_scoped3A_120 = tpu.sem_alloc : memref<!tpu.dma_semaphore, #tpu.memory_space<semaphore_mem>>
        %dma_start3A_121 = arith.constant 0 : i32
        %dma_start3A_122 = tpu.memref_slice %arg11[%run_scoped3A_119, %dma_start3A_121] : memref<4x128xi32, #tpu.memory_space<vmem>> -> memref<1x128xi32, #tpu.memory_space<vmem>>
        %dma_start3A_123 = tpu.memref_squeeze %dma_start3A_122 : memref<1x128xi32, #tpu.memory_space<vmem>> -> memref<128xi32, #tpu.memory_space<vmem>>
        %dma_start3A_124 = arith.constant 0 : i32
        %dma_start3A_125 = arith.constant 0 : i32
        %dma_start3A_126 = tpu.memref_slice %arg15[%dma_start3A_124, %dma_start3A_125] : memref<10240x16xf32, #tpu.memory_space<vmem_shared>> -> memref<10240x16xf32, #tpu.memory_space<vmem_shared>>
        tpu.enqueue_indirect_dma source(%arg13 : memref<128x16xf32, #tpu.memory_space<vmem>>) target(%dma_start3A_126 : memref<10240x16xf32, #tpu.memory_space<vmem_shared>>) offsets(%dma_start3A_123 : memref<128xi32, #tpu.memory_space<vmem>>) semaphore(%run_scoped3A_120 : memref<!tpu.dma_semaphore, #tpu.memory_space<semaphore_mem>>) {add = true}
        %dma_wait3A_127 = arith.constant 0 : i32
        %dma_wait3A_128 = tpu.memref_slice %arg11[%run_scoped3A_119, %dma_wait3A_127] : memref<4x128xi32, #tpu.memory_space<vmem>> -> memref<1x128xi32, #tpu.memory_space<vmem>>
        %dma_wait3A_129 = tpu.memref_squeeze %dma_wait3A_128 : memref<1x128xi32, #tpu.memory_space<vmem>> -> memref<128xi32, #tpu.memory_space<vmem>>
        %dma_wait3A_130 = arith.constant 0 : i32
        %dma_wait3A_131 = arith.constant 0 : i32
        %dma_wait3A_132 = tpu.memref_slice %arg15[%dma_wait3A_130, %dma_wait3A_131] : memref<10240x16xf32, #tpu.memory_space<vmem_shared>> -> memref<10240x16xf32, #tpu.memory_space<vmem_shared>>
        tpu.wait_indirect_dma semaphore(%run_scoped3A_120 : memref<!tpu.dma_semaphore, #tpu.memory_space<semaphore_mem>>) src(%arg13 : memref<128x16xf32, #tpu.memory_space<vmem>>) dst(%dma_wait3A_132 : memref<10240x16xf32, #tpu.memory_space<vmem_shared>>)
        tpu.yield
      }) : () -> ()
    }
    %scan3A_9 = arith.constant 20 : i32
    %barrier3A_10 = arith.constant 0 : index
    tpu.barrier barrier_id(%barrier3A_10)
    "tpu.region"() ({
      %run_scoped3A = tpu.sem_alloc : memref<!tpu.dma_semaphore, #tpu.memory_space<semaphore_mem>>
      %dma_start3A = arith.constant 0 : i32
      %dma_start3A_11 = tpu.memref_slice %arg8[%arg0, %mul3A_2, %dma_start3A] : memref<2x10240x64xf32, #tpu.memory_space<hbm>> -> memref<1x640x64xf32, #tpu.memory_space<hbm>>
      %dma_start3A_12 = tpu.memref_squeeze %dma_start3A_11 : memref<1x640x64xf32, #tpu.memory_space<hbm>> -> memref<640x64xf32, #tpu.memory_space<hbm>>
      %dma_start3A_13 = arith.constant 0 : i32
      %dma_start3A_14 = tpu.memref_slice %arg14[%mul3A_2, %dma_start3A_13] : memref<10240x64xf32, #tpu.memory_space<vmem_shared>> -> memref<640x64xf32, #tpu.memory_space<vmem_shared>>
      tpu.enqueue_dma source(%dma_start3A_14 : memref<640x64xf32, #tpu.memory_space<vmem_shared>>) target(%dma_start3A_12 : memref<640x64xf32, #tpu.memory_space<hbm>>) target_semaphore(%run_scoped3A : memref<!tpu.dma_semaphore, #tpu.memory_space<semaphore_mem>>)
      %dma_wait3A = arith.constant 0 : i32
      %dma_wait3A_15 = tpu.memref_slice %arg8[%arg0, %mul3A_2, %dma_wait3A] : memref<2x10240x64xf32, #tpu.memory_space<hbm>> -> memref<1x640x64xf32, #tpu.memory_space<hbm>>
      %dma_wait3A_16 = tpu.memref_squeeze %dma_wait3A_15 : memref<1x640x64xf32, #tpu.memory_space<hbm>> -> memref<640x64xf32, #tpu.memory_space<hbm>>
      %dma_wait3A_17 = arith.constant 0 : i32
      %dma_wait3A_18 = tpu.memref_slice %arg14[%mul3A_2, %dma_wait3A_17] : memref<10240x64xf32, #tpu.memory_space<vmem_shared>> -> memref<640x64xf32, #tpu.memory_space<vmem_shared>>
      tpu.wait_dma2 semaphore(%run_scoped3A : memref<!tpu.dma_semaphore, #tpu.memory_space<semaphore_mem>>) src(%dma_wait3A_18 : memref<640x64xf32, #tpu.memory_space<vmem_shared>>) dst(%dma_wait3A_16 : memref<640x64xf32, #tpu.memory_space<hbm>>)
      tpu.yield
    }) : () -> ()
    "tpu.region"() ({
      %run_scoped3A = tpu.sem_alloc : memref<!tpu.dma_semaphore, #tpu.memory_space<semaphore_mem>>
      %dma_start3A = arith.constant 0 : i32
      %dma_start3A_11 = tpu.memref_slice %arg9[%arg0, %mul3A_2, %dma_start3A] : memref<2x10240x16xf32, #tpu.memory_space<hbm>> -> memref<1x640x16xf32, #tpu.memory_space<hbm>>
      %dma_start3A_12 = tpu.memref_squeeze %dma_start3A_11 : memref<1x640x16xf32, #tpu.memory_space<hbm>> -> memref<640x16xf32, #tpu.memory_space<hbm>>
      %dma_start3A_13 = arith.constant 0 : i32
      %dma_start3A_14 = tpu.memref_slice %arg15[%mul3A_2, %dma_start3A_13] : memref<10240x16xf32, #tpu.memory_space<vmem_shared>> -> memref<640x16xf32, #tpu.memory_space<vmem_shared>>
      tpu.enqueue_dma source(%dma_start3A_14 : memref<640x16xf32, #tpu.memory_space<vmem_shared>>) target(%dma_start3A_12 : memref<640x16xf32, #tpu.memory_space<hbm>>) target_semaphore(%run_scoped3A : memref<!tpu.dma_semaphore, #tpu.memory_space<semaphore_mem>>)
      %dma_wait3A = arith.constant 0 : i32
      %dma_wait3A_15 = tpu.memref_slice %arg9[%arg0, %mul3A_2, %dma_wait3A] : memref<2x10240x16xf32, #tpu.memory_space<hbm>> -> memref<1x640x16xf32, #tpu.memory_space<hbm>>
      %dma_wait3A_16 = tpu.memref_squeeze %dma_wait3A_15 : memref<1x640x16xf32, #tpu.memory_space<hbm>> -> memref<640x16xf32, #tpu.memory_space<hbm>>
      %dma_wait3A_17 = arith.constant 0 : i32
      %dma_wait3A_18 = tpu.memref_slice %arg15[%mul3A_2, %dma_wait3A_17] : memref<10240x16xf32, #tpu.memory_space<vmem_shared>> -> memref<640x16xf32, #tpu.memory_space<vmem_shared>>
      tpu.wait_dma2 semaphore(%run_scoped3A : memref<!tpu.dma_semaphore, #tpu.memory_space<semaphore_mem>>) src(%dma_wait3A_18 : memref<640x16xf32, #tpu.memory_space<vmem_shared>>) dst(%dma_wait3A_16 : memref<640x16xf32, #tpu.memory_space<hbm>>)
      tpu.yield
    }) : () -> ()
    return
  }
}

#map = affine_map<(d0, d1) -> (0, 0)>
#map1 = affine_map<(d0, d1) -> (0, 0, 0)>
module attributes {stable_mosaic.version = 14 : i64} {
  func.func @_seg_body(%arg0: i32, %arg1: i32, %arg2: memref<10240x64xf32, #tpu.memory_space<hbm>>, %arg3: memref<2560x128xi32, #tpu.memory_space<hbm>>, %arg4: memref<2560x128xi32, #tpu.memory_space<hbm>>, %arg5: memref<10240x64xf32, #tpu.memory_space<hbm>>, %arg6: memref<2x10240x64xf32, #tpu.memory_space<hbm>>, %arg7: memref<4x128xi32, #tpu.memory_space<vmem>>, %arg8: memref<4x128xi32, #tpu.memory_space<vmem>>, %arg9: memref<4x128x64xf32, #tpu.memory_space<vmem>>, %arg10: memref<10240x64xf32, #tpu.memory_space<vmem_shared>>, %arg11: memref<!tpu.dma_semaphore, #tpu.memory_space<semaphore_mem>>) attributes {dimension_semantics = [#tpu.dimension_semantics<core_parallel>, #tpu.dimension_semantics<subcore_parallel>], iteration_bounds = array<i64: 2, 16>, scalar_prefetch = 0 : i64, scratch_operands = 5 : i64, tpu.core_type = #tpu.core_type<sc_vector_subcore>, window_params = [{transform_indices = #map}, {transform_indices = #map}, {transform_indices = #map}, {transform_indices = #map}, {transform_indices = #map1}]} {
    %mul3A = arith.constant 2 : i32
    %mul3A_0 = arith.muli %arg1, %mul3A : i32
    %add3A = arith.addi %mul3A_0, %arg0 : i32
    %mul3A_1 = arith.constant 640 : i32
    %mul3A_2 = arith.muli %arg1, %mul3A_1 : i32
    "tpu.region"() ({
      %run_scoped3A = tpu.sem_alloc : memref<!tpu.dma_semaphore, #tpu.memory_space<semaphore_mem>>
      %dma_start3A = arith.constant 0 : i32
      %dma_start3A_11 = tpu.memref_slice %arg10[%mul3A_2, %dma_start3A] : memref<10240x64xf32, #tpu.memory_space<vmem_shared>> -> memref<640x64xf32, #tpu.memory_space<vmem_shared>>
      %dma_start3A_12 = arith.constant 0 : i32
      %dma_start3A_13 = tpu.memref_slice %arg5[%mul3A_2, %dma_start3A_12] : memref<10240x64xf32, #tpu.memory_space<hbm>> -> memref<640x64xf32, #tpu.memory_space<hbm>>
      tpu.enqueue_dma source(%dma_start3A_13 : memref<640x64xf32, #tpu.memory_space<hbm>>) target(%dma_start3A_11 : memref<640x64xf32, #tpu.memory_space<vmem_shared>>) target_semaphore(%run_scoped3A : memref<!tpu.dma_semaphore, #tpu.memory_space<semaphore_mem>>)
      %dma_wait3A = arith.constant 0 : i32
      %dma_wait3A_14 = tpu.memref_slice %arg10[%mul3A_2, %dma_wait3A] : memref<10240x64xf32, #tpu.memory_space<vmem_shared>> -> memref<640x64xf32, #tpu.memory_space<vmem_shared>>
      %dma_wait3A_15 = arith.constant 0 : i32
      %dma_wait3A_16 = tpu.memref_slice %arg5[%mul3A_2, %dma_wait3A_15] : memref<10240x64xf32, #tpu.memory_space<hbm>> -> memref<640x64xf32, #tpu.memory_space<hbm>>
      tpu.wait_dma2 semaphore(%run_scoped3A : memref<!tpu.dma_semaphore, #tpu.memory_space<semaphore_mem>>) src(%dma_wait3A_16 : memref<640x64xf32, #tpu.memory_space<hbm>>) dst(%dma_wait3A_14 : memref<640x64xf32, #tpu.memory_space<vmem_shared>>)
      tpu.yield
    }) : () -> ()
    %barrier3A = arith.constant 0 : index
    tpu.barrier barrier_id(%barrier3A)
    %mul3A_3 = arith.constant 80 : i32
    %mul3A_4 = arith.muli %add3A, %mul3A_3 : i32
    %scan3A = arith.constant 0 : i32
    %scan3A_5 = arith.constant 0 : i32
    %scan3A_6 = arith.constant 20 : i32
    %scan3A_7 = arith.addi %scan3A_5, %scan3A_6 : i32
    %scan3A_8 = arith.constant 1 : i32
    scf.for %scan3A_11 = %scan3A_5 to %scan3A_7 step %scan3A_8  : i32 {
      %mul3A_12 = arith.constant 4 : i32
      %mul3A_13 = arith.muli %scan3A_11, %mul3A_12 : i32
      %add3A_14 = arith.addi %mul3A_4, %mul3A_13 : i32
      "tpu.region"() ({
        %run_scoped3A_116 = tpu.sem_alloc : memref<!tpu.dma_semaphore, #tpu.memory_space<semaphore_mem>>
        %dma_start3A_117 = arith.constant 0 : i32
        %dma_start3A_118 = tpu.memref_slice %arg3[%add3A_14, %dma_start3A_117] : memref<2560x128xi32, #tpu.memory_space<hbm>> -> memref<4x128xi32, #tpu.memory_space<hbm>>
        %dma_start3A_119 = arith.constant 0 : i32
        %dma_start3A_120 = tpu.memref_slice %arg3[%add3A_14, %dma_start3A_119] : memref<2560x128xi32, #tpu.memory_space<hbm>> -> memref<4x128xi32, #tpu.memory_space<hbm>>
        tpu.enqueue_dma source(%dma_start3A_120 : memref<4x128xi32, #tpu.memory_space<hbm>>) target(%arg7 : memref<4x128xi32, #tpu.memory_space<vmem>>) target_semaphore(%run_scoped3A_116 : memref<!tpu.dma_semaphore, #tpu.memory_space<semaphore_mem>>)
        %dma_wait3A_121 = arith.constant 0 : i32
        %dma_wait3A_122 = tpu.memref_slice %arg3[%add3A_14, %dma_wait3A_121] : memref<2560x128xi32, #tpu.memory_space<hbm>> -> memref<4x128xi32, #tpu.memory_space<hbm>>
        %dma_wait3A_123 = arith.constant 0 : i32
        %dma_wait3A_124 = tpu.memref_slice %arg3[%add3A_14, %dma_wait3A_123] : memref<2560x128xi32, #tpu.memory_space<hbm>> -> memref<4x128xi32, #tpu.memory_space<hbm>>
        tpu.wait_dma2 semaphore(%run_scoped3A_116 : memref<!tpu.dma_semaphore, #tpu.memory_space<semaphore_mem>>) src(%dma_wait3A_124 : memref<4x128xi32, #tpu.memory_space<hbm>>) dst(%arg7 : memref<4x128xi32, #tpu.memory_space<vmem>>)
        tpu.yield
      }) : () -> ()
      "tpu.region"() ({
        %run_scoped3A_116 = tpu.sem_alloc : memref<!tpu.dma_semaphore, #tpu.memory_space<semaphore_mem>>
        %dma_start3A_117 = arith.constant 0 : i32
        %dma_start3A_118 = tpu.memref_slice %arg4[%add3A_14, %dma_start3A_117] : memref<2560x128xi32, #tpu.memory_space<hbm>> -> memref<4x128xi32, #tpu.memory_space<hbm>>
        %dma_start3A_119 = arith.constant 0 : i32
        %dma_start3A_120 = tpu.memref_slice %arg4[%add3A_14, %dma_start3A_119] : memref<2560x128xi32, #tpu.memory_space<hbm>> -> memref<4x128xi32, #tpu.memory_space<hbm>>
        tpu.enqueue_dma source(%dma_start3A_120 : memref<4x128xi32, #tpu.memory_space<hbm>>) target(%arg8 : memref<4x128xi32, #tpu.memory_space<vmem>>) target_semaphore(%run_scoped3A_116 : memref<!tpu.dma_semaphore, #tpu.memory_space<semaphore_mem>>)
        %dma_wait3A_121 = arith.constant 0 : i32
        %dma_wait3A_122 = tpu.memref_slice %arg4[%add3A_14, %dma_wait3A_121] : memref<2560x128xi32, #tpu.memory_space<hbm>> -> memref<4x128xi32, #tpu.memory_space<hbm>>
        %dma_wait3A_123 = arith.constant 0 : i32
        %dma_wait3A_124 = tpu.memref_slice %arg4[%add3A_14, %dma_wait3A_123] : memref<2560x128xi32, #tpu.memory_space<hbm>> -> memref<4x128xi32, #tpu.memory_space<hbm>>
        tpu.wait_dma2 semaphore(%run_scoped3A_116 : memref<!tpu.dma_semaphore, #tpu.memory_space<semaphore_mem>>) src(%dma_wait3A_124 : memref<4x128xi32, #tpu.memory_space<hbm>>) dst(%arg8 : memref<4x128xi32, #tpu.memory_space<vmem>>)
        tpu.yield
      }) : () -> ()
      %dma_start3A = arith.constant 0 : i32
      %dma_start3A_15 = arith.constant 0 : i32
      %dma_start3A_16 = arith.constant 0 : i32
      %dma_start3A_17 = arith.constant 0 : i32
      %dma_start3A_18 = tpu.memref_slice %arg9[%dma_start3A_15, %dma_start3A_16, %dma_start3A_17] : memref<4x128x64xf32, #tpu.memory_space<vmem>> -> memref<1x128x64xf32, #tpu.memory_space<vmem>>
      %dma_start3A_19 = tpu.memref_squeeze %dma_start3A_18 : memref<1x128x64xf32, #tpu.memory_space<vmem>> -> memref<128x64xf32, #tpu.memory_space<vmem>>
      %dma_start3A_20 = arith.constant 0 : i32
      %dma_start3A_21 = tpu.memref_slice %arg7[%dma_start3A, %dma_start3A_20] : memref<4x128xi32, #tpu.memory_space<vmem>> -> memref<1x128xi32, #tpu.memory_space<vmem>>
      %dma_start3A_22 = tpu.memref_squeeze %dma_start3A_21 : memref<1x128xi32, #tpu.memory_space<vmem>> -> memref<128xi32, #tpu.memory_space<vmem>>
      %dma_start3A_23 = arith.constant 0 : i32
      %dma_start3A_24 = arith.constant 0 : i32
      %dma_start3A_25 = tpu.memref_slice %arg2[%dma_start3A_23, %dma_start3A_24] : memref<10240x64xf32, #tpu.memory_space<hbm>> -> memref<10240x64xf32, #tpu.memory_space<hbm>>
      tpu.enqueue_indirect_dma source(%dma_start3A_25 : memref<10240x64xf32, #tpu.memory_space<hbm>>) target(%dma_start3A_19 : memref<128x64xf32, #tpu.memory_space<vmem>>) offsets(%dma_start3A_22 : memref<128xi32, #tpu.memory_space<vmem>>) semaphore(%arg11 : memref<!tpu.dma_semaphore, #tpu.memory_space<semaphore_mem>>)
      %dma_start3A_26 = arith.constant 1 : i32
      %dma_start3A_27 = arith.constant 1 : i32
      %dma_start3A_28 = arith.constant 0 : i32
      %dma_start3A_29 = arith.constant 0 : i32
      %dma_start3A_30 = tpu.memref_slice %arg9[%dma_start3A_27, %dma_start3A_28, %dma_start3A_29] : memref<4x128x64xf32, #tpu.memory_space<vmem>> -> memref<1x128x64xf32, #tpu.memory_space<vmem>>
      %dma_start3A_31 = tpu.memref_squeeze %dma_start3A_30 : memref<1x128x64xf32, #tpu.memory_space<vmem>> -> memref<128x64xf32, #tpu.memory_space<vmem>>
      %dma_start3A_32 = arith.constant 0 : i32
      %dma_start3A_33 = tpu.memref_slice %arg7[%dma_start3A_26, %dma_start3A_32] : memref<4x128xi32, #tpu.memory_space<vmem>> -> memref<1x128xi32, #tpu.memory_space<vmem>>
      %dma_start3A_34 = tpu.memref_squeeze %dma_start3A_33 : memref<1x128xi32, #tpu.memory_space<vmem>> -> memref<128xi32, #tpu.memory_space<vmem>>
      %dma_start3A_35 = arith.constant 0 : i32
      %dma_start3A_36 = arith.constant 0 : i32
      %dma_start3A_37 = tpu.memref_slice %arg2[%dma_start3A_35, %dma_start3A_36] : memref<10240x64xf32, #tpu.memory_space<hbm>> -> memref<10240x64xf32, #tpu.memory_space<hbm>>
      tpu.enqueue_indirect_dma source(%dma_start3A_37 : memref<10240x64xf32, #tpu.memory_space<hbm>>) target(%dma_start3A_31 : memref<128x64xf32, #tpu.memory_space<vmem>>) offsets(%dma_start3A_34 : memref<128xi32, #tpu.memory_space<vmem>>) semaphore(%arg11 : memref<!tpu.dma_semaphore, #tpu.memory_space<semaphore_mem>>)
      %dma_start3A_38 = arith.constant 2 : i32
      %dma_start3A_39 = arith.constant 2 : i32
      %dma_start3A_40 = arith.constant 0 : i32
      %dma_start3A_41 = arith.constant 0 : i32
      %dma_start3A_42 = tpu.memref_slice %arg9[%dma_start3A_39, %dma_start3A_40, %dma_start3A_41] : memref<4x128x64xf32, #tpu.memory_space<vmem>> -> memref<1x128x64xf32, #tpu.memory_space<vmem>>
      %dma_start3A_43 = tpu.memref_squeeze %dma_start3A_42 : memref<1x128x64xf32, #tpu.memory_space<vmem>> -> memref<128x64xf32, #tpu.memory_space<vmem>>
      %dma_start3A_44 = arith.constant 0 : i32
      %dma_start3A_45 = tpu.memref_slice %arg7[%dma_start3A_38, %dma_start3A_44] : memref<4x128xi32, #tpu.memory_space<vmem>> -> memref<1x128xi32, #tpu.memory_space<vmem>>
      %dma_start3A_46 = tpu.memref_squeeze %dma_start3A_45 : memref<1x128xi32, #tpu.memory_space<vmem>> -> memref<128xi32, #tpu.memory_space<vmem>>
      %dma_start3A_47 = arith.constant 0 : i32
      %dma_start3A_48 = arith.constant 0 : i32
      %dma_start3A_49 = tpu.memref_slice %arg2[%dma_start3A_47, %dma_start3A_48] : memref<10240x64xf32, #tpu.memory_space<hbm>> -> memref<10240x64xf32, #tpu.memory_space<hbm>>
      tpu.enqueue_indirect_dma source(%dma_start3A_49 : memref<10240x64xf32, #tpu.memory_space<hbm>>) target(%dma_start3A_43 : memref<128x64xf32, #tpu.memory_space<vmem>>) offsets(%dma_start3A_46 : memref<128xi32, #tpu.memory_space<vmem>>) semaphore(%arg11 : memref<!tpu.dma_semaphore, #tpu.memory_space<semaphore_mem>>)
      %dma_start3A_50 = arith.constant 3 : i32
      %dma_start3A_51 = arith.constant 3 : i32
      %dma_start3A_52 = arith.constant 0 : i32
      %dma_start3A_53 = arith.constant 0 : i32
      %dma_start3A_54 = tpu.memref_slice %arg9[%dma_start3A_51, %dma_start3A_52, %dma_start3A_53] : memref<4x128x64xf32, #tpu.memory_space<vmem>> -> memref<1x128x64xf32, #tpu.memory_space<vmem>>
      %dma_start3A_55 = tpu.memref_squeeze %dma_start3A_54 : memref<1x128x64xf32, #tpu.memory_space<vmem>> -> memref<128x64xf32, #tpu.memory_space<vmem>>
      %dma_start3A_56 = arith.constant 0 : i32
      %dma_start3A_57 = tpu.memref_slice %arg7[%dma_start3A_50, %dma_start3A_56] : memref<4x128xi32, #tpu.memory_space<vmem>> -> memref<1x128xi32, #tpu.memory_space<vmem>>
      %dma_start3A_58 = tpu.memref_squeeze %dma_start3A_57 : memref<1x128xi32, #tpu.memory_space<vmem>> -> memref<128xi32, #tpu.memory_space<vmem>>
      %dma_start3A_59 = arith.constant 0 : i32
      %dma_start3A_60 = arith.constant 0 : i32
      %dma_start3A_61 = tpu.memref_slice %arg2[%dma_start3A_59, %dma_start3A_60] : memref<10240x64xf32, #tpu.memory_space<hbm>> -> memref<10240x64xf32, #tpu.memory_space<hbm>>
      tpu.enqueue_indirect_dma source(%dma_start3A_61 : memref<10240x64xf32, #tpu.memory_space<hbm>>) target(%dma_start3A_55 : memref<128x64xf32, #tpu.memory_space<vmem>>) offsets(%dma_start3A_58 : memref<128xi32, #tpu.memory_space<vmem>>) semaphore(%arg11 : memref<!tpu.dma_semaphore, #tpu.memory_space<semaphore_mem>>)
      %dma_wait3A = arith.constant 0 : i32
      %dma_wait3A_62 = arith.constant 0 : i32
      %dma_wait3A_63 = arith.constant 0 : i32
      %dma_wait3A_64 = arith.constant 0 : i32
      %dma_wait3A_65 = tpu.memref_slice %arg9[%dma_wait3A_62, %dma_wait3A_63, %dma_wait3A_64] : memref<4x128x64xf32, #tpu.memory_space<vmem>> -> memref<1x128x64xf32, #tpu.memory_space<vmem>>
      %dma_wait3A_66 = tpu.memref_squeeze %dma_wait3A_65 : memref<1x128x64xf32, #tpu.memory_space<vmem>> -> memref<128x64xf32, #tpu.memory_space<vmem>>
      %dma_wait3A_67 = arith.constant 0 : i32
      %dma_wait3A_68 = tpu.memref_slice %arg7[%dma_wait3A, %dma_wait3A_67] : memref<4x128xi32, #tpu.memory_space<vmem>> -> memref<1x128xi32, #tpu.memory_space<vmem>>
      %dma_wait3A_69 = tpu.memref_squeeze %dma_wait3A_68 : memref<1x128xi32, #tpu.memory_space<vmem>> -> memref<128xi32, #tpu.memory_space<vmem>>
      %dma_wait3A_70 = arith.constant 0 : i32
      %dma_wait3A_71 = arith.constant 0 : i32
      %dma_wait3A_72 = tpu.memref_slice %arg2[%dma_wait3A_70, %dma_wait3A_71] : memref<10240x64xf32, #tpu.memory_space<hbm>> -> memref<10240x64xf32, #tpu.memory_space<hbm>>
      tpu.wait_indirect_dma semaphore(%arg11 : memref<!tpu.dma_semaphore, #tpu.memory_space<semaphore_mem>>) src(%dma_wait3A_72 : memref<10240x64xf32, #tpu.memory_space<hbm>>) dst(%dma_wait3A_66 : memref<128x64xf32, #tpu.memory_space<vmem>>)
      %dma_wait3A_73 = arith.constant 1 : i32
      %dma_wait3A_74 = arith.constant 1 : i32
      %dma_wait3A_75 = arith.constant 0 : i32
      %dma_wait3A_76 = arith.constant 0 : i32
      %dma_wait3A_77 = tpu.memref_slice %arg9[%dma_wait3A_74, %dma_wait3A_75, %dma_wait3A_76] : memref<4x128x64xf32, #tpu.memory_space<vmem>> -> memref<1x128x64xf32, #tpu.memory_space<vmem>>
      %dma_wait3A_78 = tpu.memref_squeeze %dma_wait3A_77 : memref<1x128x64xf32, #tpu.memory_space<vmem>> -> memref<128x64xf32, #tpu.memory_space<vmem>>
      %dma_wait3A_79 = arith.constant 0 : i32
      %dma_wait3A_80 = tpu.memref_slice %arg7[%dma_wait3A_73, %dma_wait3A_79] : memref<4x128xi32, #tpu.memory_space<vmem>> -> memref<1x128xi32, #tpu.memory_space<vmem>>
      %dma_wait3A_81 = tpu.memref_squeeze %dma_wait3A_80 : memref<1x128xi32, #tpu.memory_space<vmem>> -> memref<128xi32, #tpu.memory_space<vmem>>
      %dma_wait3A_82 = arith.constant 0 : i32
      %dma_wait3A_83 = arith.constant 0 : i32
      %dma_wait3A_84 = tpu.memref_slice %arg2[%dma_wait3A_82, %dma_wait3A_83] : memref<10240x64xf32, #tpu.memory_space<hbm>> -> memref<10240x64xf32, #tpu.memory_space<hbm>>
      tpu.wait_indirect_dma semaphore(%arg11 : memref<!tpu.dma_semaphore, #tpu.memory_space<semaphore_mem>>) src(%dma_wait3A_84 : memref<10240x64xf32, #tpu.memory_space<hbm>>) dst(%dma_wait3A_78 : memref<128x64xf32, #tpu.memory_space<vmem>>)
      %dma_wait3A_85 = arith.constant 2 : i32
      %dma_wait3A_86 = arith.constant 2 : i32
      %dma_wait3A_87 = arith.constant 0 : i32
      %dma_wait3A_88 = arith.constant 0 : i32
      %dma_wait3A_89 = tpu.memref_slice %arg9[%dma_wait3A_86, %dma_wait3A_87, %dma_wait3A_88] : memref<4x128x64xf32, #tpu.memory_space<vmem>> -> memref<1x128x64xf32, #tpu.memory_space<vmem>>
      %dma_wait3A_90 = tpu.memref_squeeze %dma_wait3A_89 : memref<1x128x64xf32, #tpu.memory_space<vmem>> -> memref<128x64xf32, #tpu.memory_space<vmem>>
      %dma_wait3A_91 = arith.constant 0 : i32
      %dma_wait3A_92 = tpu.memref_slice %arg7[%dma_wait3A_85, %dma_wait3A_91] : memref<4x128xi32, #tpu.memory_space<vmem>> -> memref<1x128xi32, #tpu.memory_space<vmem>>
      %dma_wait3A_93 = tpu.memref_squeeze %dma_wait3A_92 : memref<1x128xi32, #tpu.memory_space<vmem>> -> memref<128xi32, #tpu.memory_space<vmem>>
      %dma_wait3A_94 = arith.constant 0 : i32
      %dma_wait3A_95 = arith.constant 0 : i32
      %dma_wait3A_96 = tpu.memref_slice %arg2[%dma_wait3A_94, %dma_wait3A_95] : memref<10240x64xf32, #tpu.memory_space<hbm>> -> memref<10240x64xf32, #tpu.memory_space<hbm>>
      tpu.wait_indirect_dma semaphore(%arg11 : memref<!tpu.dma_semaphore, #tpu.memory_space<semaphore_mem>>) src(%dma_wait3A_96 : memref<10240x64xf32, #tpu.memory_space<hbm>>) dst(%dma_wait3A_90 : memref<128x64xf32, #tpu.memory_space<vmem>>)
      %dma_wait3A_97 = arith.constant 3 : i32
      %dma_wait3A_98 = arith.constant 3 : i32
      %dma_wait3A_99 = arith.constant 0 : i32
      %dma_wait3A_100 = arith.constant 0 : i32
      %dma_wait3A_101 = tpu.memref_slice %arg9[%dma_wait3A_98, %dma_wait3A_99, %dma_wait3A_100] : memref<4x128x64xf32, #tpu.memory_space<vmem>> -> memref<1x128x64xf32, #tpu.memory_space<vmem>>
      %dma_wait3A_102 = tpu.memref_squeeze %dma_wait3A_101 : memref<1x128x64xf32, #tpu.memory_space<vmem>> -> memref<128x64xf32, #tpu.memory_space<vmem>>
      %dma_wait3A_103 = arith.constant 0 : i32
      %dma_wait3A_104 = tpu.memref_slice %arg7[%dma_wait3A_97, %dma_wait3A_103] : memref<4x128xi32, #tpu.memory_space<vmem>> -> memref<1x128xi32, #tpu.memory_space<vmem>>
      %dma_wait3A_105 = tpu.memref_squeeze %dma_wait3A_104 : memref<1x128xi32, #tpu.memory_space<vmem>> -> memref<128xi32, #tpu.memory_space<vmem>>
      %dma_wait3A_106 = arith.constant 0 : i32
      %dma_wait3A_107 = arith.constant 0 : i32
      %dma_wait3A_108 = tpu.memref_slice %arg2[%dma_wait3A_106, %dma_wait3A_107] : memref<10240x64xf32, #tpu.memory_space<hbm>> -> memref<10240x64xf32, #tpu.memory_space<hbm>>
      tpu.wait_indirect_dma semaphore(%arg11 : memref<!tpu.dma_semaphore, #tpu.memory_space<semaphore_mem>>) src(%dma_wait3A_108 : memref<10240x64xf32, #tpu.memory_space<hbm>>) dst(%dma_wait3A_102 : memref<128x64xf32, #tpu.memory_space<vmem>>)
      %run_scoped3A = arith.constant 0 : i32
      %run_scoped3A_109 = arith.constant 0 : i32
      "tpu.region"() ({
        %run_scoped3A_116 = tpu.sem_alloc : memref<!tpu.dma_semaphore, #tpu.memory_space<semaphore_mem>>
        %dma_start3A_117 = arith.constant 0 : i32
        %dma_start3A_118 = arith.constant 0 : i32
        %dma_start3A_119 = tpu.memref_slice %arg9[%run_scoped3A, %dma_start3A_117, %dma_start3A_118] : memref<4x128x64xf32, #tpu.memory_space<vmem>> -> memref<1x128x64xf32, #tpu.memory_space<vmem>>
        %dma_start3A_120 = tpu.memref_squeeze %dma_start3A_119 : memref<1x128x64xf32, #tpu.memory_space<vmem>> -> memref<128x64xf32, #tpu.memory_space<vmem>>
        %dma_start3A_121 = arith.constant 0 : i32
        %dma_start3A_122 = tpu.memref_slice %arg8[%run_scoped3A_109, %dma_start3A_121] : memref<4x128xi32, #tpu.memory_space<vmem>> -> memref<1x128xi32, #tpu.memory_space<vmem>>
        %dma_start3A_123 = tpu.memref_squeeze %dma_start3A_122 : memref<1x128xi32, #tpu.memory_space<vmem>> -> memref<128xi32, #tpu.memory_space<vmem>>
        %dma_start3A_124 = arith.constant 0 : i32
        %dma_start3A_125 = arith.constant 0 : i32
        %dma_start3A_126 = tpu.memref_slice %arg10[%dma_start3A_124, %dma_start3A_125] : memref<10240x64xf32, #tpu.memory_space<vmem_shared>> -> memref<10240x64xf32, #tpu.memory_space<vmem_shared>>
        tpu.enqueue_indirect_dma source(%dma_start3A_120 : memref<128x64xf32, #tpu.memory_space<vmem>>) target(%dma_start3A_126 : memref<10240x64xf32, #tpu.memory_space<vmem_shared>>) offsets(%dma_start3A_123 : memref<128xi32, #tpu.memory_space<vmem>>) semaphore(%run_scoped3A_116 : memref<!tpu.dma_semaphore, #tpu.memory_space<semaphore_mem>>) {add = true}
        %dma_wait3A_127 = arith.constant 0 : i32
        %dma_wait3A_128 = arith.constant 0 : i32
        %dma_wait3A_129 = tpu.memref_slice %arg9[%run_scoped3A, %dma_wait3A_127, %dma_wait3A_128] : memref<4x128x64xf32, #tpu.memory_space<vmem>> -> memref<1x128x64xf32, #tpu.memory_space<vmem>>
        %dma_wait3A_130 = tpu.memref_squeeze %dma_wait3A_129 : memref<1x128x64xf32, #tpu.memory_space<vmem>> -> memref<128x64xf32, #tpu.memory_space<vmem>>
        %dma_wait3A_131 = arith.constant 0 : i32
        %dma_wait3A_132 = tpu.memref_slice %arg8[%run_scoped3A_109, %dma_wait3A_131] : memref<4x128xi32, #tpu.memory_space<vmem>> -> memref<1x128xi32, #tpu.memory_space<vmem>>
        %dma_wait3A_133 = tpu.memref_squeeze %dma_wait3A_132 : memref<1x128xi32, #tpu.memory_space<vmem>> -> memref<128xi32, #tpu.memory_space<vmem>>
        %dma_wait3A_134 = arith.constant 0 : i32
        %dma_wait3A_135 = arith.constant 0 : i32
        %dma_wait3A_136 = tpu.memref_slice %arg10[%dma_wait3A_134, %dma_wait3A_135] : memref<10240x64xf32, #tpu.memory_space<vmem_shared>> -> memref<10240x64xf32, #tpu.memory_space<vmem_shared>>
        tpu.wait_indirect_dma semaphore(%run_scoped3A_116 : memref<!tpu.dma_semaphore, #tpu.memory_space<semaphore_mem>>) src(%dma_wait3A_130 : memref<128x64xf32, #tpu.memory_space<vmem>>) dst(%dma_wait3A_136 : memref<10240x64xf32, #tpu.memory_space<vmem_shared>>)
        tpu.yield
      }) : () -> ()
      %run_scoped3A_110 = arith.constant 1 : i32
      %run_scoped3A_111 = arith.constant 1 : i32
      "tpu.region"() ({
        %run_scoped3A_116 = tpu.sem_alloc : memref<!tpu.dma_semaphore, #tpu.memory_space<semaphore_mem>>
        %dma_start3A_117 = arith.constant 0 : i32
        %dma_start3A_118 = arith.constant 0 : i32
        %dma_start3A_119 = tpu.memref_slice %arg9[%run_scoped3A_110, %dma_start3A_117, %dma_start3A_118] : memref<4x128x64xf32, #tpu.memory_space<vmem>> -> memref<1x128x64xf32, #tpu.memory_space<vmem>>
        %dma_start3A_120 = tpu.memref_squeeze %dma_start3A_119 : memref<1x128x64xf32, #tpu.memory_space<vmem>> -> memref<128x64xf32, #tpu.memory_space<vmem>>
        %dma_start3A_121 = arith.constant 0 : i32
        %dma_start3A_122 = tpu.memref_slice %arg8[%run_scoped3A_111, %dma_start3A_121] : memref<4x128xi32, #tpu.memory_space<vmem>> -> memref<1x128xi32, #tpu.memory_space<vmem>>
        %dma_start3A_123 = tpu.memref_squeeze %dma_start3A_122 : memref<1x128xi32, #tpu.memory_space<vmem>> -> memref<128xi32, #tpu.memory_space<vmem>>
        %dma_start3A_124 = arith.constant 0 : i32
        %dma_start3A_125 = arith.constant 0 : i32
        %dma_start3A_126 = tpu.memref_slice %arg10[%dma_start3A_124, %dma_start3A_125] : memref<10240x64xf32, #tpu.memory_space<vmem_shared>> -> memref<10240x64xf32, #tpu.memory_space<vmem_shared>>
        tpu.enqueue_indirect_dma source(%dma_start3A_120 : memref<128x64xf32, #tpu.memory_space<vmem>>) target(%dma_start3A_126 : memref<10240x64xf32, #tpu.memory_space<vmem_shared>>) offsets(%dma_start3A_123 : memref<128xi32, #tpu.memory_space<vmem>>) semaphore(%run_scoped3A_116 : memref<!tpu.dma_semaphore, #tpu.memory_space<semaphore_mem>>) {add = true}
        %dma_wait3A_127 = arith.constant 0 : i32
        %dma_wait3A_128 = arith.constant 0 : i32
        %dma_wait3A_129 = tpu.memref_slice %arg9[%run_scoped3A_110, %dma_wait3A_127, %dma_wait3A_128] : memref<4x128x64xf32, #tpu.memory_space<vmem>> -> memref<1x128x64xf32, #tpu.memory_space<vmem>>
        %dma_wait3A_130 = tpu.memref_squeeze %dma_wait3A_129 : memref<1x128x64xf32, #tpu.memory_space<vmem>> -> memref<128x64xf32, #tpu.memory_space<vmem>>
        %dma_wait3A_131 = arith.constant 0 : i32
        %dma_wait3A_132 = tpu.memref_slice %arg8[%run_scoped3A_111, %dma_wait3A_131] : memref<4x128xi32, #tpu.memory_space<vmem>> -> memref<1x128xi32, #tpu.memory_space<vmem>>
        %dma_wait3A_133 = tpu.memref_squeeze %dma_wait3A_132 : memref<1x128xi32, #tpu.memory_space<vmem>> -> memref<128xi32, #tpu.memory_space<vmem>>
        %dma_wait3A_134 = arith.constant 0 : i32
        %dma_wait3A_135 = arith.constant 0 : i32
        %dma_wait3A_136 = tpu.memref_slice %arg10[%dma_wait3A_134, %dma_wait3A_135] : memref<10240x64xf32, #tpu.memory_space<vmem_shared>> -> memref<10240x64xf32, #tpu.memory_space<vmem_shared>>
        tpu.wait_indirect_dma semaphore(%run_scoped3A_116 : memref<!tpu.dma_semaphore, #tpu.memory_space<semaphore_mem>>) src(%dma_wait3A_130 : memref<128x64xf32, #tpu.memory_space<vmem>>) dst(%dma_wait3A_136 : memref<10240x64xf32, #tpu.memory_space<vmem_shared>>)
        tpu.yield
      }) : () -> ()
      %run_scoped3A_112 = arith.constant 2 : i32
      %run_scoped3A_113 = arith.constant 2 : i32
      "tpu.region"() ({
        %run_scoped3A_116 = tpu.sem_alloc : memref<!tpu.dma_semaphore, #tpu.memory_space<semaphore_mem>>
        %dma_start3A_117 = arith.constant 0 : i32
        %dma_start3A_118 = arith.constant 0 : i32
        %dma_start3A_119 = tpu.memref_slice %arg9[%run_scoped3A_112, %dma_start3A_117, %dma_start3A_118] : memref<4x128x64xf32, #tpu.memory_space<vmem>> -> memref<1x128x64xf32, #tpu.memory_space<vmem>>
        %dma_start3A_120 = tpu.memref_squeeze %dma_start3A_119 : memref<1x128x64xf32, #tpu.memory_space<vmem>> -> memref<128x64xf32, #tpu.memory_space<vmem>>
        %dma_start3A_121 = arith.constant 0 : i32
        %dma_start3A_122 = tpu.memref_slice %arg8[%run_scoped3A_113, %dma_start3A_121] : memref<4x128xi32, #tpu.memory_space<vmem>> -> memref<1x128xi32, #tpu.memory_space<vmem>>
        %dma_start3A_123 = tpu.memref_squeeze %dma_start3A_122 : memref<1x128xi32, #tpu.memory_space<vmem>> -> memref<128xi32, #tpu.memory_space<vmem>>
        %dma_start3A_124 = arith.constant 0 : i32
        %dma_start3A_125 = arith.constant 0 : i32
        %dma_start3A_126 = tpu.memref_slice %arg10[%dma_start3A_124, %dma_start3A_125] : memref<10240x64xf32, #tpu.memory_space<vmem_shared>> -> memref<10240x64xf32, #tpu.memory_space<vmem_shared>>
        tpu.enqueue_indirect_dma source(%dma_start3A_120 : memref<128x64xf32, #tpu.memory_space<vmem>>) target(%dma_start3A_126 : memref<10240x64xf32, #tpu.memory_space<vmem_shared>>) offsets(%dma_start3A_123 : memref<128xi32, #tpu.memory_space<vmem>>) semaphore(%run_scoped3A_116 : memref<!tpu.dma_semaphore, #tpu.memory_space<semaphore_mem>>) {add = true}
        %dma_wait3A_127 = arith.constant 0 : i32
        %dma_wait3A_128 = arith.constant 0 : i32
        %dma_wait3A_129 = tpu.memref_slice %arg9[%run_scoped3A_112, %dma_wait3A_127, %dma_wait3A_128] : memref<4x128x64xf32, #tpu.memory_space<vmem>> -> memref<1x128x64xf32, #tpu.memory_space<vmem>>
        %dma_wait3A_130 = tpu.memref_squeeze %dma_wait3A_129 : memref<1x128x64xf32, #tpu.memory_space<vmem>> -> memref<128x64xf32, #tpu.memory_space<vmem>>
        %dma_wait3A_131 = arith.constant 0 : i32
        %dma_wait3A_132 = tpu.memref_slice %arg8[%run_scoped3A_113, %dma_wait3A_131] : memref<4x128xi32, #tpu.memory_space<vmem>> -> memref<1x128xi32, #tpu.memory_space<vmem>>
        %dma_wait3A_133 = tpu.memref_squeeze %dma_wait3A_132 : memref<1x128xi32, #tpu.memory_space<vmem>> -> memref<128xi32, #tpu.memory_space<vmem>>
        %dma_wait3A_134 = arith.constant 0 : i32
        %dma_wait3A_135 = arith.constant 0 : i32
        %dma_wait3A_136 = tpu.memref_slice %arg10[%dma_wait3A_134, %dma_wait3A_135] : memref<10240x64xf32, #tpu.memory_space<vmem_shared>> -> memref<10240x64xf32, #tpu.memory_space<vmem_shared>>
        tpu.wait_indirect_dma semaphore(%run_scoped3A_116 : memref<!tpu.dma_semaphore, #tpu.memory_space<semaphore_mem>>) src(%dma_wait3A_130 : memref<128x64xf32, #tpu.memory_space<vmem>>) dst(%dma_wait3A_136 : memref<10240x64xf32, #tpu.memory_space<vmem_shared>>)
        tpu.yield
      }) : () -> ()
      %run_scoped3A_114 = arith.constant 3 : i32
      %run_scoped3A_115 = arith.constant 3 : i32
      "tpu.region"() ({
        %run_scoped3A_116 = tpu.sem_alloc : memref<!tpu.dma_semaphore, #tpu.memory_space<semaphore_mem>>
        %dma_start3A_117 = arith.constant 0 : i32
        %dma_start3A_118 = arith.constant 0 : i32
        %dma_start3A_119 = tpu.memref_slice %arg9[%run_scoped3A_114, %dma_start3A_117, %dma_start3A_118] : memref<4x128x64xf32, #tpu.memory_space<vmem>> -> memref<1x128x64xf32, #tpu.memory_space<vmem>>
        %dma_start3A_120 = tpu.memref_squeeze %dma_start3A_119 : memref<1x128x64xf32, #tpu.memory_space<vmem>> -> memref<128x64xf32, #tpu.memory_space<vmem>>
        %dma_start3A_121 = arith.constant 0 : i32
        %dma_start3A_122 = tpu.memref_slice %arg8[%run_scoped3A_115, %dma_start3A_121] : memref<4x128xi32, #tpu.memory_space<vmem>> -> memref<1x128xi32, #tpu.memory_space<vmem>>
        %dma_start3A_123 = tpu.memref_squeeze %dma_start3A_122 : memref<1x128xi32, #tpu.memory_space<vmem>> -> memref<128xi32, #tpu.memory_space<vmem>>
        %dma_start3A_124 = arith.constant 0 : i32
        %dma_start3A_125 = arith.constant 0 : i32
        %dma_start3A_126 = tpu.memref_slice %arg10[%dma_start3A_124, %dma_start3A_125] : memref<10240x64xf32, #tpu.memory_space<vmem_shared>> -> memref<10240x64xf32, #tpu.memory_space<vmem_shared>>
        tpu.enqueue_indirect_dma source(%dma_start3A_120 : memref<128x64xf32, #tpu.memory_space<vmem>>) target(%dma_start3A_126 : memref<10240x64xf32, #tpu.memory_space<vmem_shared>>) offsets(%dma_start3A_123 : memref<128xi32, #tpu.memory_space<vmem>>) semaphore(%run_scoped3A_116 : memref<!tpu.dma_semaphore, #tpu.memory_space<semaphore_mem>>) {add = true}
        %dma_wait3A_127 = arith.constant 0 : i32
        %dma_wait3A_128 = arith.constant 0 : i32
        %dma_wait3A_129 = tpu.memref_slice %arg9[%run_scoped3A_114, %dma_wait3A_127, %dma_wait3A_128] : memref<4x128x64xf32, #tpu.memory_space<vmem>> -> memref<1x128x64xf32, #tpu.memory_space<vmem>>
        %dma_wait3A_130 = tpu.memref_squeeze %dma_wait3A_129 : memref<1x128x64xf32, #tpu.memory_space<vmem>> -> memref<128x64xf32, #tpu.memory_space<vmem>>
        %dma_wait3A_131 = arith.constant 0 : i32
        %dma_wait3A_132 = tpu.memref_slice %arg8[%run_scoped3A_115, %dma_wait3A_131] : memref<4x128xi32, #tpu.memory_space<vmem>> -> memref<1x128xi32, #tpu.memory_space<vmem>>
        %dma_wait3A_133 = tpu.memref_squeeze %dma_wait3A_132 : memref<1x128xi32, #tpu.memory_space<vmem>> -> memref<128xi32, #tpu.memory_space<vmem>>
        %dma_wait3A_134 = arith.constant 0 : i32
        %dma_wait3A_135 = arith.constant 0 : i32
        %dma_wait3A_136 = tpu.memref_slice %arg10[%dma_wait3A_134, %dma_wait3A_135] : memref<10240x64xf32, #tpu.memory_space<vmem_shared>> -> memref<10240x64xf32, #tpu.memory_space<vmem_shared>>
        tpu.wait_indirect_dma semaphore(%run_scoped3A_116 : memref<!tpu.dma_semaphore, #tpu.memory_space<semaphore_mem>>) src(%dma_wait3A_130 : memref<128x64xf32, #tpu.memory_space<vmem>>) dst(%dma_wait3A_136 : memref<10240x64xf32, #tpu.memory_space<vmem_shared>>)
        tpu.yield
      }) : () -> ()
    }
    %scan3A_9 = arith.constant 20 : i32
    %barrier3A_10 = arith.constant 0 : index
    tpu.barrier barrier_id(%barrier3A_10)
    "tpu.region"() ({
      %run_scoped3A = tpu.sem_alloc : memref<!tpu.dma_semaphore, #tpu.memory_space<semaphore_mem>>
      %dma_start3A = arith.constant 0 : i32
      %dma_start3A_11 = tpu.memref_slice %arg6[%arg0, %mul3A_2, %dma_start3A] : memref<2x10240x64xf32, #tpu.memory_space<hbm>> -> memref<1x640x64xf32, #tpu.memory_space<hbm>>
      %dma_start3A_12 = tpu.memref_squeeze %dma_start3A_11 : memref<1x640x64xf32, #tpu.memory_space<hbm>> -> memref<640x64xf32, #tpu.memory_space<hbm>>
      %dma_start3A_13 = arith.constant 0 : i32
      %dma_start3A_14 = tpu.memref_slice %arg10[%mul3A_2, %dma_start3A_13] : memref<10240x64xf32, #tpu.memory_space<vmem_shared>> -> memref<640x64xf32, #tpu.memory_space<vmem_shared>>
      tpu.enqueue_dma source(%dma_start3A_14 : memref<640x64xf32, #tpu.memory_space<vmem_shared>>) target(%dma_start3A_12 : memref<640x64xf32, #tpu.memory_space<hbm>>) target_semaphore(%run_scoped3A : memref<!tpu.dma_semaphore, #tpu.memory_space<semaphore_mem>>)
      %dma_wait3A = arith.constant 0 : i32
      %dma_wait3A_15 = tpu.memref_slice %arg6[%arg0, %mul3A_2, %dma_wait3A] : memref<2x10240x64xf32, #tpu.memory_space<hbm>> -> memref<1x640x64xf32, #tpu.memory_space<hbm>>
      %dma_wait3A_16 = tpu.memref_squeeze %dma_wait3A_15 : memref<1x640x64xf32, #tpu.memory_space<hbm>> -> memref<640x64xf32, #tpu.memory_space<hbm>>
      %dma_wait3A_17 = arith.constant 0 : i32
      %dma_wait3A_18 = tpu.memref_slice %arg10[%mul3A_2, %dma_wait3A_17] : memref<10240x64xf32, #tpu.memory_space<vmem_shared>> -> memref<640x64xf32, #tpu.memory_space<vmem_shared>>
      tpu.wait_dma2 semaphore(%run_scoped3A : memref<!tpu.dma_semaphore, #tpu.memory_space<semaphore_mem>>) src(%dma_wait3A_18 : memref<640x64xf32, #tpu.memory_space<vmem_shared>>) dst(%dma_wait3A_16 : memref<640x64xf32, #tpu.memory_space<hbm>>)
      tpu.yield
    }) : () -> ()
    return
  }
}

module attributes {stable_mosaic.version = 14 : i64} {
  func.func @_proj0_body(%arg0: memref<10000x128xf32, #tpu.memory_space<vmem>>, %arg1: memref<128x128xf32, #tpu.memory_space<vmem>>, %arg2: memref<10240x64xf32, #tpu.memory_space<vmem>>, %arg3: memref<10000x64xf32, #tpu.memory_space<vmem>>) attributes {dimension_semantics = [], scalar_prefetch = 0 : i64, scratch_operands = 0 : i64, tpu.core_type = #tpu.core_type<tc>} {
    %get3A = arith.constant 0 : index
    %get3A_0 = arith.constant 0 : index
    %get3A_1 = vector.load %arg0[%get3A, %get3A_0] : memref<10000x128xf32, #tpu.memory_space<vmem>>, vector<10000x128xf32>
    %get3A_2 = arith.constant 0 : index
    %get3A_3 = arith.constant 0 : index
    %get3A_4 = vector.load %arg1[%get3A_2, %get3A_3] : memref<128x128xf32, #tpu.memory_space<vmem>>, vector<128x128xf32>
    %dot_general3A = arith.constant dense<0.000000e+00> : vector<10000x128xf32>
    %dot_general3A_5 = tpu.matmul %get3A_1, %get3A_4, %dot_general3A {dimension_numbers = #tpu.dot_dimension_numbers<[1], [0], [0], [1], [0, 0, 1, 1], [], []>, transpose_lhs_hint = false} : vector<10000x128xf32>, vector<128x128xf32>, vector<10000x128xf32> -> vector<10000x128xf32>
    %slice3A = vector.extract_strided_slice %dot_general3A_5 {offsets = [0, 0], sizes = [10000, 64], strides = [1, 1]} : vector<10000x128xf32> to vector<10000x64xf32>
    %swap3A = arith.constant 0 : index
    %swap3A_6 = arith.constant 0 : index
    %swap3A_7 = vector.load %arg2[%swap3A, %swap3A_6] : memref<10240x64xf32, #tpu.memory_space<vmem>>, vector<10000x64xf32>
    tpu.vector_store %arg2[%swap3A, %swap3A_6], %slice3A {strides = array<i32>} : memref<10240x64xf32, #tpu.memory_space<vmem>>, vector<10000x64xf32>,
    %broadcast_in_dim3A = arith.constant 0.000000e+00 : f32
    %broadcast_in_dim3A_8 = vector.broadcast %broadcast_in_dim3A : f32 to vector<240x64xf32>
    %swap3A_9 = arith.constant 10000 : index
    %swap3A_10 = arith.constant 0 : index
    %swap3A_11 = vector.load %arg2[%swap3A_9, %swap3A_10] : memref<10240x64xf32, #tpu.memory_space<vmem>>, vector<240x64xf32>
    tpu.vector_store %arg2[%swap3A_9, %swap3A_10], %broadcast_in_dim3A_8 {strides = array<i32>} : memref<10240x64xf32, #tpu.memory_space<vmem>>, vector<240x64xf32>,
    %slice3A_12 = vector.extract_strided_slice %dot_general3A_5 {offsets = [0, 64], sizes = [10000, 64], strides = [1, 1]} : vector<10000x128xf32> to vector<10000x64xf32>
    %swap3A_13 = arith.constant 0 : index
    %swap3A_14 = arith.constant 0 : index
    %swap3A_15 = vector.load %arg3[%swap3A_13, %swap3A_14] : memref<10000x64xf32, #tpu.memory_space<vmem>>, vector<10000x64xf32>
    tpu.vector_store %arg3[%swap3A_13, %swap3A_14], %slice3A_12 {strides = array<i32>} : memref<10000x64xf32, #tpu.memory_space<vmem>>, vector<10000x64xf32>,
    return
  }
}

module attributes {stable_mosaic.version = 14 : i64} {
  func.func @_mid_body(%arg0: memref<2x10240x64xf32, #tpu.memory_space<vmem>>, %arg1: memref<2x10240x16xf32, #tpu.memory_space<vmem>>, %arg2: memref<10000x64xf32, #tpu.memory_space<vmem>>, %arg3: memref<1x64xf32, #tpu.memory_space<vmem>>, %arg4: memref<1x64xf32, #tpu.memory_space<vmem>>, %arg5: memref<1x64xf32, #tpu.memory_space<vmem>>, %arg6: memref<64x128xf32, #tpu.memory_space<vmem>>, %arg7: memref<10240x64xf32, #tpu.memory_space<vmem>>, %arg8: memref<10000x64xf32, #tpu.memory_space<vmem>>, %arg9: memref<10000x1xf32, #tpu.memory_space<vmem>>) attributes {dimension_semantics = [], scalar_prefetch = 0 : i64, scratch_operands = 0 : i64, tpu.core_type = #tpu.core_type<tc>} {
    %get3A = arith.constant 0 : index
    %get3A_0 = arith.constant 0 : index
    %get3A_1 = arith.constant 0 : index
    %get3A_2 = vector.load %arg0[%get3A, %get3A_0, %get3A_1] : memref<2x10240x64xf32, #tpu.memory_space<vmem>>, vector<1x10000x64xf32>
    %get3A_3 = vector.shape_cast %get3A_2 : vector<1x10000x64xf32> to vector<10000x64xf32>
    %get3A_4 = arith.constant 1 : index
    %get3A_5 = arith.constant 0 : index
    %get3A_6 = arith.constant 0 : index
    %get3A_7 = vector.load %arg0[%get3A_4, %get3A_5, %get3A_6] : memref<2x10240x64xf32, #tpu.memory_space<vmem>>, vector<1x10000x64xf32>
    %get3A_8 = vector.shape_cast %get3A_7 : vector<1x10000x64xf32> to vector<10000x64xf32>
    %add3A = arith.addf %get3A_3, %get3A_8 : vector<10000x64xf32>
    %get3A_9 = arith.constant 0 : index
    %get3A_10 = arith.constant 0 : index
    %get3A_11 = arith.constant 0 : index
    %get3A_12 = vector.load %arg1[%get3A_9, %get3A_10, %get3A_11] : memref<2x10240x16xf32, #tpu.memory_space<vmem>>, vector<1x10000x1xf32>
    %get3A_13 = vector.shape_cast %get3A_12 : vector<1x10000x1xf32> to vector<10000x1xf32>
    %get3A_14 = arith.constant 1 : index
    %get3A_15 = arith.constant 0 : index
    %get3A_16 = arith.constant 0 : index
    %get3A_17 = vector.load %arg1[%get3A_14, %get3A_15, %get3A_16] : memref<2x10240x16xf32, #tpu.memory_space<vmem>>, vector<1x10000x1xf32>
    %get3A_18 = vector.shape_cast %get3A_17 : vector<1x10000x1xf32> to vector<10000x1xf32>
    %add3A_19 = arith.addf %get3A_13, %get3A_18 : vector<10000x1xf32>
    %max3A = arith.constant 1.000000e+00 : f32
    %max3A_20 = vector.broadcast %max3A : f32 to vector<10000x1xf32>
    %max3A_21 = arith.maximumf %add3A_19, %max3A_20 : vector<10000x1xf32>
    %div3A = vector.broadcast %max3A_21 : vector<10000x1xf32> to vector<10000x64xf32>
    %div3A_22 = arith.divf %add3A, %div3A : vector<10000x64xf32>
    %get3A_23 = arith.constant 0 : index
    %get3A_24 = arith.constant 0 : index
    %get3A_25 = vector.load %arg3[%get3A_23, %get3A_24] : memref<1x64xf32, #tpu.memory_space<vmem>>, vector<1x64xf32>
    %add3A_26 = vector.broadcast %get3A_25 : vector<1x64xf32> to vector<10000x64xf32>
    %add3A_27 = arith.addf %div3A_22, %add3A_26 : vector<10000x64xf32>
    %get3A_28 = arith.constant 0 : index
    %get3A_29 = arith.constant 0 : index
    %get3A_30 = vector.load %arg2[%get3A_28, %get3A_29] : memref<10000x64xf32, #tpu.memory_space<vmem>>, vector<10000x64xf32>
    %add3A_31 = arith.addf %add3A_27, %get3A_30 : vector<10000x64xf32>
    %reduce_sum3A = arith.constant dense<0.000000e+00> : vector<64xf32>
    %reduce_sum3A_32 = vector.multi_reduction <add>, %add3A_31, %reduce_sum3A [0] : vector<10000x64xf32> to vector<64xf32>
    %broadcast_in_dim3A = vector.shape_cast %reduce_sum3A_32 : vector<64xf32> to vector<1x64xf32>
    %div3A_33 = arith.constant 1.000000e+04 : f32
    %div3A_34 = vector.broadcast %div3A_33 : f32 to vector<1x64xf32>
    %div3A_35 = arith.divf %broadcast_in_dim3A, %div3A_34 : vector<1x64xf32>
    %sub3A = vector.broadcast %div3A_35 : vector<1x64xf32> to vector<10000x64xf32>
    %sub3A_36 = arith.subf %add3A_31, %sub3A : vector<10000x64xf32>
    %integer_pow3A = arith.mulf %sub3A_36, %sub3A_36 : vector<10000x64xf32>
    %reduce_sum3A_37 = arith.constant dense<0.000000e+00> : vector<64xf32>
    %reduce_sum3A_38 = vector.multi_reduction <add>, %integer_pow3A, %reduce_sum3A_37 [0] : vector<10000x64xf32> to vector<64xf32>
    %broadcast_in_dim3A_39 = vector.shape_cast %reduce_sum3A_38 : vector<64xf32> to vector<1x64xf32>
    %div3A_40 = arith.constant 1.000000e+04 : f32
    %div3A_41 = vector.broadcast %div3A_40 : f32 to vector<1x64xf32>
    %div3A_42 = arith.divf %broadcast_in_dim3A_39, %div3A_41 : vector<1x64xf32>
    %sub3A_43 = vector.broadcast %div3A_35 : vector<1x64xf32> to vector<10000x64xf32>
    %sub3A_44 = arith.subf %add3A_31, %sub3A_43 : vector<10000x64xf32>
    %add3A_45 = arith.constant 9.99999974E-6 : f32
    %add3A_46 = vector.broadcast %add3A_45 : f32 to vector<1x64xf32>
    %add3A_47 = arith.addf %div3A_42, %add3A_46 : vector<1x64xf32>
    %rsqrt3A = math.rsqrt %add3A_47 : vector<1x64xf32>
    %mul3A = vector.broadcast %rsqrt3A : vector<1x64xf32> to vector<10000x64xf32>
    %mul3A_48 = arith.mulf %sub3A_44, %mul3A : vector<10000x64xf32>
    %get3A_49 = arith.constant 0 : index
    %get3A_50 = arith.constant 0 : index
    %get3A_51 = vector.load %arg4[%get3A_49, %get3A_50] : memref<1x64xf32, #tpu.memory_space<vmem>>, vector<1x64xf32>
    %mul3A_52 = vector.broadcast %get3A_51 : vector<1x64xf32> to vector<10000x64xf32>
    %mul3A_53 = arith.mulf %mul3A_48, %mul3A_52 : vector<10000x64xf32>
    %get3A_54 = arith.constant 0 : index
    %get3A_55 = arith.constant 0 : index
    %get3A_56 = vector.load %arg5[%get3A_54, %get3A_55] : memref<1x64xf32, #tpu.memory_space<vmem>>, vector<1x64xf32>
    %add3A_57 = vector.broadcast %get3A_56 : vector<1x64xf32> to vector<10000x64xf32>
    %add3A_58 = arith.addf %mul3A_53, %add3A_57 : vector<10000x64xf32>
    %max3A_59 = arith.constant 0.000000e+00 : f32
    %max3A_60 = vector.broadcast %max3A_59 : f32 to vector<10000x64xf32>
    %max3A_61 = arith.maximumf %add3A_58, %max3A_60 : vector<10000x64xf32>
    %get3A_62 = arith.constant 0 : index
    %get3A_63 = arith.constant 0 : index
    %get3A_64 = vector.load %arg6[%get3A_62, %get3A_63] : memref<64x128xf32, #tpu.memory_space<vmem>>, vector<64x128xf32>
    %dot_general3A = arith.constant dense<0.000000e+00> : vector<10000x128xf32>
    %dot_general3A_65 = tpu.matmul %max3A_61, %get3A_64, %dot_general3A {dimension_numbers = #tpu.dot_dimension_numbers<[1], [0], [0], [1], [0, 0, 1, 1], [], []>, transpose_lhs_hint = false} : vector<10000x64xf32>, vector<64x128xf32>, vector<10000x128xf32> -> vector<10000x128xf32>
    %slice3A = vector.extract_strided_slice %dot_general3A_65 {offsets = [0, 0], sizes = [10000, 64], strides = [1, 1]} : vector<10000x128xf32> to vector<10000x64xf32>
    %swap3A = arith.constant 0 : index
    %swap3A_66 = arith.constant 0 : index
    %swap3A_67 = vector.load %arg7[%swap3A, %swap3A_66] : memref<10240x64xf32, #tpu.memory_space<vmem>>, vector<10000x64xf32>
    tpu.vector_store %arg7[%swap3A, %swap3A_66], %slice3A {strides = array<i32>} : memref<10240x64xf32, #tpu.memory_space<vmem>>, vector<10000x64xf32>,
    %broadcast_in_dim3A_68 = arith.constant 0.000000e+00 : f32
    %broadcast_in_dim3A_69 = vector.broadcast %broadcast_in_dim3A_68 : f32 to vector<240x64xf32>
    %swap3A_70 = arith.constant 10000 : index
    %swap3A_71 = arith.constant 0 : index
    %swap3A_72 = vector.load %arg7[%swap3A_70, %swap3A_71] : memref<10240x64xf32, #tpu.memory_space<vmem>>, vector<240x64xf32>
    tpu.vector_store %arg7[%swap3A_70, %swap3A_71], %broadcast_in_dim3A_69 {strides = array<i32>} : memref<10240x64xf32, #tpu.memory_space<vmem>>, vector<240x64xf32>,
    %slice3A_73 = vector.extract_strided_slice %dot_general3A_65 {offsets = [0, 64], sizes = [10000, 64], strides = [1, 1]} : vector<10000x128xf32> to vector<10000x64xf32>
    %swap3A_74 = arith.constant 0 : index
    %swap3A_75 = arith.constant 0 : index
    %swap3A_76 = vector.load %arg8[%swap3A_74, %swap3A_75] : memref<10000x64xf32, #tpu.memory_space<vmem>>, vector<10000x64xf32>
    tpu.vector_store %arg8[%swap3A_74, %swap3A_75], %slice3A_73 {strides = array<i32>} : memref<10000x64xf32, #tpu.memory_space<vmem>>, vector<10000x64xf32>,
    %swap3A_77 = arith.constant 0 : index
    %swap3A_78 = arith.constant 0 : index
    %swap3A_79 = vector.load %arg9[%swap3A_77, %swap3A_78] : memref<10000x1xf32, #tpu.memory_space<vmem>>, vector<10000x1xf32>
    tpu.vector_store %arg9[%swap3A_77, %swap3A_78], %max3A_21 {strides = array<i32>} : memref<10000x1xf32, #tpu.memory_space<vmem>>, vector<10000x1xf32>,
    return
  }
}

module attributes {stable_mosaic.version = 14 : i64} {
  func.func @_out_body(%arg0: memref<2x10240x64xf32, #tpu.memory_space<vmem>>, %arg1: memref<10000x1xf32, #tpu.memory_space<vmem>>, %arg2: memref<10000x64xf32, #tpu.memory_space<vmem>>, %arg3: memref<1x64xf32, #tpu.memory_space<vmem>>, %arg4: memref<1x64xf32, #tpu.memory_space<vmem>>, %arg5: memref<1x64xf32, #tpu.memory_space<vmem>>, %arg6: memref<64x64xf32, #tpu.memory_space<vmem>>, %arg7: memref<8x64xf32, #tpu.memory_space<vmem>>, %arg8: memref<1x1xf32, #tpu.memory_space<vmem>>, %arg9: memref<10000x8xf32, #tpu.memory_space<vmem>>) attributes {dimension_semantics = [], scalar_prefetch = 0 : i64, scratch_operands = 0 : i64, tpu.core_type = #tpu.core_type<tc>} {
    %get3A = arith.constant 0 : index
    %get3A_0 = arith.constant 0 : index
    %get3A_1 = arith.constant 0 : index
    %get3A_2 = vector.load %arg0[%get3A, %get3A_0, %get3A_1] : memref<2x10240x64xf32, #tpu.memory_space<vmem>>, vector<1x10000x64xf32>
    %get3A_3 = vector.shape_cast %get3A_2 : vector<1x10000x64xf32> to vector<10000x64xf32>
    %get3A_4 = arith.constant 1 : index
    %get3A_5 = arith.constant 0 : index
    %get3A_6 = arith.constant 0 : index
    %get3A_7 = vector.load %arg0[%get3A_4, %get3A_5, %get3A_6] : memref<2x10240x64xf32, #tpu.memory_space<vmem>>, vector<1x10000x64xf32>
    %get3A_8 = vector.shape_cast %get3A_7 : vector<1x10000x64xf32> to vector<10000x64xf32>
    %add3A = arith.addf %get3A_3, %get3A_8 : vector<10000x64xf32>
    %get3A_9 = arith.constant 0 : index
    %get3A_10 = arith.constant 0 : index
    %get3A_11 = vector.load %arg1[%get3A_9, %get3A_10] : memref<10000x1xf32, #tpu.memory_space<vmem>>, vector<10000x1xf32>
    %div3A = vector.broadcast %get3A_11 : vector<10000x1xf32> to vector<10000x64xf32>
    %div3A_12 = arith.divf %add3A, %div3A : vector<10000x64xf32>
    %get3A_13 = arith.constant 0 : index
    %get3A_14 = arith.constant 0 : index
    %get3A_15 = vector.load %arg3[%get3A_13, %get3A_14] : memref<1x64xf32, #tpu.memory_space<vmem>>, vector<1x64xf32>
    %add3A_16 = vector.broadcast %get3A_15 : vector<1x64xf32> to vector<10000x64xf32>
    %add3A_17 = arith.addf %div3A_12, %add3A_16 : vector<10000x64xf32>
    %get3A_18 = arith.constant 0 : index
    %get3A_19 = arith.constant 0 : index
    %get3A_20 = vector.load %arg2[%get3A_18, %get3A_19] : memref<10000x64xf32, #tpu.memory_space<vmem>>, vector<10000x64xf32>
    %add3A_21 = arith.addf %add3A_17, %get3A_20 : vector<10000x64xf32>
    %reduce_sum3A = arith.constant dense<0.000000e+00> : vector<64xf32>
    %reduce_sum3A_22 = vector.multi_reduction <add>, %add3A_21, %reduce_sum3A [0] : vector<10000x64xf32> to vector<64xf32>
    %broadcast_in_dim3A = vector.shape_cast %reduce_sum3A_22 : vector<64xf32> to vector<1x64xf32>
    %div3A_23 = arith.constant 1.000000e+04 : f32
    %div3A_24 = vector.broadcast %div3A_23 : f32 to vector<1x64xf32>
    %div3A_25 = arith.divf %broadcast_in_dim3A, %div3A_24 : vector<1x64xf32>
    %sub3A = vector.broadcast %div3A_25 : vector<1x64xf32> to vector<10000x64xf32>
    %sub3A_26 = arith.subf %add3A_21, %sub3A : vector<10000x64xf32>
    %integer_pow3A = arith.mulf %sub3A_26, %sub3A_26 : vector<10000x64xf32>
    %reduce_sum3A_27 = arith.constant dense<0.000000e+00> : vector<64xf32>
    %reduce_sum3A_28 = vector.multi_reduction <add>, %integer_pow3A, %reduce_sum3A_27 [0] : vector<10000x64xf32> to vector<64xf32>
    %broadcast_in_dim3A_29 = vector.shape_cast %reduce_sum3A_28 : vector<64xf32> to vector<1x64xf32>
    %div3A_30 = arith.constant 1.000000e+04 : f32
    %div3A_31 = vector.broadcast %div3A_30 : f32 to vector<1x64xf32>
    %div3A_32 = arith.divf %broadcast_in_dim3A_29, %div3A_31 : vector<1x64xf32>
    %sub3A_33 = vector.broadcast %div3A_25 : vector<1x64xf32> to vector<10000x64xf32>
    %sub3A_34 = arith.subf %add3A_21, %sub3A_33 : vector<10000x64xf32>
    %add3A_35 = arith.constant 9.99999974E-6 : f32
    %add3A_36 = vector.broadcast %add3A_35 : f32 to vector<1x64xf32>
    %add3A_37 = arith.addf %div3A_32, %add3A_36 : vector<1x64xf32>
    %rsqrt3A = math.rsqrt %add3A_37 : vector<1x64xf32>
    %mul3A = vector.broadcast %rsqrt3A : vector<1x64xf32> to vector<10000x64xf32>
    %mul3A_38 = arith.mulf %sub3A_34, %mul3A : vector<10000x64xf32>
    %get3A_39 = arith.constant 0 : index
    %get3A_40 = arith.constant 0 : index
    %get3A_41 = vector.load %arg4[%get3A_39, %get3A_40] : memref<1x64xf32, #tpu.memory_space<vmem>>, vector<1x64xf32>
    %mul3A_42 = vector.broadcast %get3A_41 : vector<1x64xf32> to vector<10000x64xf32>
    %mul3A_43 = arith.mulf %mul3A_38, %mul3A_42 : vector<10000x64xf32>
    %get3A_44 = arith.constant 0 : index
    %get3A_45 = arith.constant 0 : index
    %get3A_46 = vector.load %arg5[%get3A_44, %get3A_45] : memref<1x64xf32, #tpu.memory_space<vmem>>, vector<1x64xf32>
    %add3A_47 = vector.broadcast %get3A_46 : vector<1x64xf32> to vector<10000x64xf32>
    %add3A_48 = arith.addf %mul3A_43, %add3A_47 : vector<10000x64xf32>
    %max3A = arith.constant 0.000000e+00 : f32
    %max3A_49 = vector.broadcast %max3A : f32 to vector<10000x64xf32>
    %max3A_50 = arith.maximumf %add3A_48, %max3A_49 : vector<10000x64xf32>
    %get3A_51 = arith.constant 0 : index
    %get3A_52 = arith.constant 0 : index
    %get3A_53 = vector.load %arg6[%get3A_51, %get3A_52] : memref<64x64xf32, #tpu.memory_space<vmem>>, vector<64x64xf32>
    %dot_general3A = arith.constant dense<0.000000e+00> : vector<10000x64xf32>
    %dot_general3A_54 = tpu.matmul %max3A_50, %get3A_53, %dot_general3A {dimension_numbers = #tpu.dot_dimension_numbers<[1], [0], [0], [1], [0, 0, 1, 1], [], []>, transpose_lhs_hint = false} : vector<10000x64xf32>, vector<64x64xf32>, vector<10000x64xf32> -> vector<10000x64xf32>
    %get3A_55 = arith.constant 0 : index
    %get3A_56 = arith.constant 0 : index
    %get3A_57 = vector.load %arg7[%get3A_55, %get3A_56] : memref<8x64xf32, #tpu.memory_space<vmem>>, vector<8x64xf32>
    %dot_general3A_58 = arith.constant dense<0.000000e+00> : vector<10000x8xf32>
    %dot_general3A_59 = tpu.matmul %dot_general3A_54, %get3A_57, %dot_general3A_58 {dimension_numbers = #tpu.dot_dimension_numbers<[1], [1], [0], [0], [0, 0, 1, 0], [], []>, transpose_lhs_hint = false} : vector<10000x64xf32>, vector<8x64xf32>, vector<10000x8xf32> -> vector<10000x8xf32>
    %get3A_60 = arith.constant 0 : index
    %get3A_61 = arith.constant 0 : index
    %get3A_62 = vector.load %arg8[%get3A_60, %get3A_61] : memref<1x1xf32, #tpu.memory_space<vmem>>, vector<1x1xf32>
    %add3A_63 = vector.broadcast %get3A_62 : vector<1x1xf32> to vector<10000x8xf32>
    %add3A_64 = arith.addf %dot_general3A_59, %add3A_63 : vector<10000x8xf32>
    %logistic3A = arith.negf %add3A_64 : vector<10000x8xf32>
    %logistic3A_65 = math.exp %logistic3A : vector<10000x8xf32>
    %logistic3A_66 = arith.constant 1.000000e+00 : f32
    %logistic3A_67 = vector.broadcast %logistic3A_66 : f32 to vector<10000x8xf32>
    %logistic3A_68 = arith.addf %logistic3A_67, %logistic3A_65 : vector<10000x8xf32>
    %logistic3A_69 = arith.divf %logistic3A_67, %logistic3A_68 : vector<10000x8xf32>
    %swap3A = arith.constant 0 : index
    %swap3A_70 = arith.constant 0 : index
    %swap3A_71 = vector.load %arg9[%swap3A, %swap3A_70] : memref<10000x8xf32, #tpu.memory_space<vmem>>, vector<10000x8xf32>
    tpu.vector_store %arg9[%swap3A, %swap3A_70], %logistic3A_69 {strides = array<i32>} : memref<10000x8xf32, #tpu.memory_space<vmem>>, vector<10000x8xf32>,
    return
  }
}

</mosaic_0001>

<sc_bundles>
// kernel: kernel.10.cloned.1.call-start
scs
__scs_entry_jumppad:
0x0: {  	(pc) =	sbr.rel $0x88, $3  }
0x1: {  	(tag) =	ssettag $0x0;
	lr =	simm.s32 $0x1  }
0x2: {  	[smem:$0x3F92] =	sst lr;
	_ =	strace $0xD0000000  }
0x3: {  	_ = 	snop  }
0x4: {  	_ = 	snop  }
0x5: {  	_ = 	snop  }
0x6: {  	_ = 	snop  }
0x7: {  	_ = 	snop  }
__scs_overlays_trampoline_lowered:
0x8: {  	[smem:$0x3FA1] =	sst s0  }
0x9: {  	[smem:$0x3FA2] =	sst s1  }
0xa: {  	[smem:$0x3FA3] =	sst s2  }
0xb: {  	[smem:$0x3FA4] =	sst s3  }
0xc: {  	[smem:$0x3FA5] =	sst s4  }
0xd: {  	[smem:$0x3FA6] =	sst s5  }
0xe: {  	[smem:$0x3FA7] =	sst s6  }
0xf: {  	[smem:$0x3FA8] =	sst s7  }
0x10: {  	[smem:$0x3FA9] =	sst s8  }
0x11: {  	[smem:$0x3FAA] =	sst s9;
	s0 =	simm.s32 @!p0 $0x0  }
0x12: {  	s1 =	sld [smem:$0x3F90];
	s0 =	simm.s32 @p0 $0x1  }
0x13: {  	[smem:$0x3FAB] =	sst s0;
	s0 =	simm.s32 @!p1 $0x0  }
0x14: {  	s2 =	sld [smem:$0x3F8F];
	s0 =	simm.s32 @p1 $0x1  }
0x15: {  	[smem:$0x3FAC] =	sst s0;
	s0 =	simm.s32 @!p2 $0x0  }
0x16: {  	s3 =	sld [smem:$0x3FDB];
	s0 =	simm.s32 @p2 $0x1  }
0x17: {  	s4 =	simm.s32 $0x1BF5;
	[smem:$0x3FAE] =	sst s0  }
0x18: {  	s0 =	sld [smem:$0x3F91];
	_ =	swait.ge [sflag:s4], $0x0  }
0x19: {  	s7 =	sld [smem:$0x3F92]  }
0x1a: {  	s8 =	sadd.s32 $0xFFFFE003, lr  }
0x1b: {  	s9 =	sadd.s32 $0xFFFFFEF7, lr;
	s5 =	simm.s32 $0xFFFFFFFF;
	p2 =	slt.u32 s8, $0xFFFFF086  }
0x1c: {  	p1 =	slt.u32 s9, $0xF7A;
	s5 =	simm.s32 @!p2 $0x0  }
0x1d: {  	s5 =	simm.s32 @p1 $0x1;
	p0 =	seq.s32 s7, s2  }
0x1e: {  	s7 =	smul.u32 @!p0 $0xF7A, s2;
	p2 =	seq.s32 @!p0 s5, $0x0  }
0x1f: {  	s9 =	smul.u32 $0xF7A, s1;
	s8 =	simm.s32 @!p0 $0x1BF5;
	p2 =	por !p2, p0  }
0x20: {  	[sflag:s8] =	ssyncset.s32 @!p0 $0xFFFFF086;
	s6 =	sadd.s32 @!p0 s3, s7;
	s7 =	simm.s32 @!p0 $0x108  }
0x21: {  	s3 =	sadd.s32 s3, s9;
	s6 =	sadd.s32 @!p0 $0x88, s6;
	s7 =	simm.s32 @p2 $0x1082  }
0x22: {  	[simem:s7], [sflag:s8] =	dma.local @!p0 [hbm:s6], $0xF7A  }
0x23: {  	s9 =	sor.u32 $0xD0000000, s2;
	s6 =	simm.s32 $0x108;
	_ =	swait.ge @!p0 [sflag:s8], $0x0  }
0x24: {  	s3 =	sadd.s32 $0x88, s3;
	s6 =	simm.s32 @!p1 $0x1082;
	[sflag:s4] =	ssyncset.s32 $0xFFFFF086  }
0x25: {  	[simem:s6], [sflag:s4] =	dma.local [hbm:s3], $0xF7A  }
0x26: {  	[smem:$0x3F92] =	sst s1;
	(tag) =	ssettag s2;
	_ =	strace s9  }
0x27: {  	s1 =	sld [smem:$0x3FA2]  }
0x28: {  	s2 =	sld [smem:$0x3FA3]  }
0x29: {  	s4 =	sld [smem:$0x3FA5]  }
0x2a: {  	p0 =	seq.s32 s5, $0x0;
	s5 =	sld [smem:$0x3FA6]  }
0x2b: {  	s6 =	sld [smem:$0x3FA7]  }
0x2c: {  	s7 =	sld [smem:$0x3FA8]  }
0x2d: {  	s3 =	simm.s32 $0x108;
	s8 =	sld [smem:$0x3FA9]  }
0x2e: {  	s3 =	simm.s32 @!p0 $0x1082;
	s9 =	sld [smem:$0x3FAA]  }
0x2f: {  	lr =	sadd.s32 s0, s3;
	s0 =	sld [smem:$0x3FA1]  }
0x30: {  	s3 =	sld [smem:$0x3FA4]  }
0x31: {  	[smem:$0x3FAD] =	sst s10  }
0x32: {  	s10 =	sld [smem:$0x3FAB];
	_ =	sdelay $0x3  }
0x33: {  	p0 =	seq.s32 s10, $0x1;
	s10 =	sld [smem:$0x3FAD];
	_ =	sdelay $0x3  }
0x34: {  	[smem:$0x3FAD] =	sst s10  }
0x35: {  	s10 =	sld [smem:$0x3FAC];
	_ =	sdelay $0x3  }
0x36: {  	p1 =	seq.s32 s10, $0x1;
	s10 =	sld [smem:$0x3FAD];
	_ =	sdelay $0x3  }
0x37: {  	[smem:$0x3FAD] =	sst s10  }
0x38: {  	s10 =	sld [smem:$0x3FAE]  }
0x39: {  	_ = 	snop;
	(pc) =	sbr.ind lr, $3  }
0x3a: {  	_ = 	snop  }
0x3b: {  	_ = 	snop  }
0x3c: {  	p2 =	seq.s32 s10, $0x1;
	s10 =	sld [smem:$0x3FAD]  }
0x3d: {  	_ =	shalt  }
0x3e: {  	_ =	shalt  }
0x3f: {  	_ =	shalt  }
0x40: {  	_ =	shalt  }
0x41: {  	_ =	shalt  }
0x42: {  	_ =	shalt  }
0x43: {  	_ =	shalt  }
0x44: {  	_ =	shalt  }
0x45: {  	_ =	shalt  }
0x46: {  	_ =	shalt  }
0x47: {  	_ =	shalt  }
0x48: {  	_ =	shalt  }
0x49: {  	_ =	shalt  }
0x4a: {  	_ =	shalt  }
0x4b: {  	_ =	shalt  }
0x4c: {  	_ =	shalt  }
0x4d: {  	_ =	shalt  }
0x4e: {  	_ =	shalt  }
0x4f: {  	_ =	shalt  }
0x50: {  	_ =	shalt  }
0x51: {  	_ =	shalt  }
0x52: {  	_ =	shalt  }
0x53: {  	_ =	shalt  }
0x54: {  	_ =	shalt  }
0x55: {  	_ =	shalt  }
0x56: {  	_ =	shalt  }
0x57: {  	_ =	shalt  }
0x58: {  	_ =	shalt  }
0x59: {  	_ =	shalt  }
0x5a: {  	_ =	shalt  }
0x5b: {  	_ =	shalt  }
0x5c: {  	_ =	shalt  }
0x5d: {  	_ =	shalt  }
0x5e: {  	_ =	shalt  }
0x5f: {  	_ =	shalt  }
0x60: {  	_ =	shalt  }
0x61: {  	_ =	shalt  }
0x62: {  	_ =	shalt  }
0x63: {  	_ =	shalt  }
0x64: {  	_ =	shalt  }
0x65: {  	_ =	shalt  }
0x66: {  	_ =	shalt  }
0x67: {  	_ =	shalt  }
0x68: {  	_ =	shalt  }
0x69: {  	_ =	shalt  }
0x6a: {  	_ =	shalt  }
0x6b: {  	_ =	shalt  }
0x6c: {  	_ =	shalt  }
0x6d: {  	_ =	shalt  }
0x6e: {  	_ =	shalt  }
0x6f: {  	_ =	shalt  }
0x70: {  	_ =	shalt  }
0x71: {  	_ =	shalt  }
0x72: {  	_ =	shalt  }
0x73: {  	_ =	shalt  }
0x74: {  	_ =	shalt  }
0x75: {  	_ =	shalt  }
0x76: {  	_ =	shalt  }
0x77: {  	_ =	shalt  }
0x78: {  	_ =	shalt  }
0x79: {  	_ =	shalt  }
0x7a: {  	_ =	shalt  }
0x7b: {  	_ =	shalt  }
0x7c: {  	_ =	shalt  }
0x7d: {  	_ =	shalt  }
0x7e: {  	_ =	shalt  }
0x7f: {  	_ =	shalt  }
0x80: {  	_ =	shalt  }
0x81: {  	_ =	shalt  }
0x82: {  	_ =	shalt  }
0x83: {  	_ =	shalt  }
0x84: {  	_ =	shalt  }
0x85: {  	_ =	shalt  }
0x86: {  	_ =	shalt  }
0x87: {  	_ =	shalt  }
.Lfunc_end0:
.L_simem_size_0:
called_computation.1_lowered:
.L_overlay_start_0:
0x88: {  	s2 =	sld [smem:$0x3FD9]  }
0x89: {  	s3 =	sld [smem:$0x3FFE];
	_ =	sdelay $0x1  }
0x8a: {  	s1 =	srdreg.scid  }
0x8b: {  	s0 =	sand.u32 $0x1, s1  }
0x8c: {  	s16 =	sshll.u32 s0, $0xA;
	s2 =	sadd.s32 s3, s2  }
0x8d: {  	s2 =	sadd.s32 s2, s16  }
0x8e: {  	[smem:$0x3FB9] =	sst s2  }
0x8f: {  	_ = 	snop  }
0x90: {  	(tm) =	ssettm $0x1  }
0x91: {  	s17 =	sld [smem:$0x3FFB];
	_ =	sdelay $0x3  }
0x92: {  	_ =	strace s17  }
0x93: {  	s2 =	sld [smem:$0x3FFC];
	_ =	sdelay $0x3  }
0x94: {  	_ =	strace s2  }
0x95: {  	s2 =	sld [smem:$0x3FFD];
	_ =	sdelay $0x3  }
0x96: {  	_ =	strace s2  }
0x97: {  	_ =	strace $0x8FFFFFFF  }
0x98: {  	s18 =	sld [smem:$0x3FDB];
	_ =	sdelay $0x1  }
0x99: {  	s19 =	simm.s32 $_scs_section_size  }
0x9a: {  	s4 =	simm.s32 $_size__tile_overlayer_lowered;
	s5 =	simm.s32 $_tile_overlayer_lowered  }
0x9b: {  	s22 =	simm.s32 $0x1BFF;
	s21 =	sshll.u32 s5, $0x1;
	s2 =	sadd.s32 s19, s18  }
0x9c: {  	s6 =	simm.s32 $0x0;
	s20 =	sshll.u32 s4, $0x1;
	s4 =	sadd.s32 s21, s2  }
0x9d: {  	[timem:s6], [sflag:s22] =	dma.local [hbm:s4], s20  }
0x9e: {  	_ =	swait.ge [sflag:s22], s20  }
0x9f: {  	s3 =	ssub.s32 $0x0, s20;
	[sflag:s22] =	ssyncset.done $0x0  }
0xa0: {  	[sflag:s22] =	ssyncadd.s32 s3;
	_ =	sdelay $0x1  }
0xa1: {  	s23 =	simm.s32 $0x1B8B  }
0xa2: {  	_ =	swait.ge [sflag:s23], $0x1  }
0xa3: {  	[sflag:s23] =	ssyncset.done $0x0  }
0xa4: {  	s25 =	simm.s32 $0x1B8E;
	s24 =	sld [smem:$0x3FFE];
	[sflag:s23] =	ssyncadd.s32 $0xFFFFFFFF  }
0xa5: {  	s26 =	simm.s32 $execute0_lowered;
	[smem:$0x3FD2] =	sst s25  }
0xa6: {  	s4 =	sshll.u32 s26, $0x1;
	_ =	strace $0x80000049;
	[dreg:$0x1] =	wrdreg $0xFFFFFFFF  }
0xa7: {  	s28 =	simm.s32 $_size_execute0_lowered;
	s2 =	sadd.s32 s2, s4;
	[dreg:$0x0] =	wrdreg $0x0  }
0xa8: {  	s4 =	sshll.u32 s28, $0x1;
	[dreg:$0x2] =	wrdreg s2  }
0xa9: {  	[dreg:$0x3] =	wrdreg s4  }
0xaa: {  	[dreg:$0x4] =	wrdreg $0xC0  }
0xab: {  	_ =	task [dreg:s6], $0x5FFFF  }
0xac: {  	[dreg:$0x1] =	wrdreg $0xFFFFFFFF  }
0xad: {  	[dreg:$0x0] =	wrdreg $0x60  }
0xae: {  	[dreg:$0x2] =	wrdreg s24  }
0xaf: {  	[dreg:$0x3] =	wrdreg $0x84000  }
0xb0: {  	[dreg:$0x4] =	wrdreg $0x9  }
0xb1: {  	_ =	task.clear_ibuf [dreg:s6], $0x5FFFF;
	_ =	strace $0x90000049  }
0xb2: {  	s29 =	simm.s32 $0x9;
	_ =	strace $0x8000004B  }
0xb3: {  	_ =	swait.ge [sflag:s29], $0x1  }
0xb4: {  	[sflag:s29] =	ssyncadd.s32 $0xFFFFFFFF  }
0xb5: {  	_ =	strace $0x9000004B  }
0xb6: {  	_ =	sfence  }
0xb7: {  	s30 =	sld [smem:$0x0];
	_ =	sdelay $0x2  }
0xb8: {  	s31 =	sshll.u32 s1, $0xD;
	s1 =	sshrl.u32 s1, $0x2  }
0xb9: {  	s3 =	sand.u32 $0x4000, s31;
	s1 =	sadd.s32 s1, s30  }
0xba: {  	s0 =	sor.u32 s3, s0;
	s1 =	sshll.u32 s1, $0x11  }
0xbb: {  	s0 =	sor.u32 s1, s0  }
0xbc: {  	s0 =	sadd.s32 $0x8F2B, s0  }
0xbd: {  	[sflag:s0] =	ssyncadd.remote.s32 $0x1  }
0xbe: {  	_ =	sfence.sel $0xFFFF  }
0xbf: {  	[dreg:$0x0] =	wrdreg $0xFFFFFFFF;
	(pc) =	sbr.abs _section_cstart, $3  }
0xc0: {  	[dreg:$0x1] =	wrdreg $0xFFFFFFFF  }
0xc1: {  	_ =	task.clear_ibuf [dreg:s6], $0x2FFFF;
	_ =	strace $0x9FFFFFFF  }
0xc2: {  	(tm) =	ssettm $0x7FFFFFFF  }
0xc3: {  	_ =	shalt  }
tec
execute0_lowered:
.L_overlay_start_1:
0x0: {  	(tag) =	ssettag $0x1  }
0x1: {  	s1 =	srdreg.scid  }
0x2: {  	s0 =	stileid.u32;
	s5 =	rddreg [dreg:$0x0]  }
0x3: {  	s2 =	rddreg [dreg:$0x1];
	s3 =	simm.s32 $0x0;
	s13 =	simm.s32 $0x200  }
0x4: {  	s14 =	simm.s32 $0x80;
	s15 =	simm.s32 $0x400;
	s16 =	simm.s32 $0x2400  }
0x5: {  	s17 =	simm.s32 $0x100;
	s18 =	simm.s32 $0x4400;
	s19 =	simm.s32 $0x180  }
0x6: {  	s20 =	simm.s32 $0x6400;
	s21 =	simm.s32 $0x1;
	s22 =	simm.s32 $0x280  }
0x7: {  	s23 =	simm.s32 $0x300;
	s24 =	simm.s32 $0x380;
	s4 =	smul.u32 $0x5000, s0  }
0x8: {  	s6 =	sand.u32 $0x1, s1;
	s1 =	rddreg [dreg:$0x2];
	s8 =	smul.u32 $0xA000, s0  }
0x9: {  	s25 =	simm.s32 $0x0;
	[smem:$0x7FF] =	sst s3;
	s7 =	smul.u32 $0x2800, s6  }
0xa: {  	s31 =	sshll.u32 s0, $0x6;
	s28 =	smul.u32 $0xA0000, s6;
	s6 =	ssub.s32 $0x2, s6  }
0xb: {  	_ =	strace $0x8000004A;
	s29 =	sshrl.u32 s8, $0x3;
	s30 =	sshrl.u32 s6, $0x1  }
0xc: {  	s12 =	sadd.s32 s8, s2;
	s4 =	sadd.s32 s7, s4;
	s7 =	sadd.s32 s8, s28  }
0xd: {  	s11 =	ssub.s32 s6, s30;
	s6 =	sor.u32 $0x1C02, s31;
	s9 =	sshrl.u32 s4, $0x3  }
0xe: {  	s4 =	sadd.s32 $0x2400, s5;
	s7 =	sshrl.u32 s7, $0x3;
	s8 =	smax.u32 s11, $0x1  }
0xf: {  	s11 =	sshrl.u32 s12, $0x3;
	s10 =	sadd.s32 s9, s5;
	s9 =	sadd.s32 s29, s5  }
0x10: {  	s12 =	simm.s32 $0x2;
	s7 =	sadd.s32 s7, s5;
	s5 =	sadd.s32 $0x2A400, s9  }
0x11: {  	s7 =	sadd.s32 $0x3E400, s7;
	s9 =	sadd.s32 $0x16400, s10;
	s10 =	sadd.s32 $0x20400, s10  }
.LBB2_1:
0x12: {  	[spmem:s11], [sflag:s6] =	dma.local [hbm:s5], $0x1400  }
0x13: {  	_ =	swait.ge [sflag:s12], $0x1400  }
0x14: {  	[sflag:s12] =	ssyncset.done $0x0  }
0x15: {  	[sflag:s12] =	ssyncadd.s32 $0xFFFFEC00  }
0x16: {  	s26 =	sadd.s32 $0x0, s10;
	[bflag:$0x0] =	sbarrier.arrive $0xFFFF  }
0x17: {  	[tilespmem:s3], [sflag:$0x2] =	stream.linear.gather [hbm4b:s26+s3], $0x200, $0x38;
	[tilespmem:$0x12400] =	vst v63  }
0x18: {  	_ =	swait.ge [sflag:s12], $0x200  }
0x19: {  	[sflag:s12] =	ssyncset.done $0x0  }
0x1a: {  	s31 =	sadd.s32 $0x0, s9;
	[sflag:s12] =	ssyncadd.s32 $0xFFFFFE00  }
0x1b: {  	[tilespmem:s13], [sflag:$0x2] =	stream.linear.gather [hbm4b:s31+s3], $0x200, $0x38;
	[tilespmem:$0x12400] =	vst v63  }
0x1c: {  	_ =	swait.ge [sflag:s12], $0x200  }
0x1d: {  	[sflag:s12] =	ssyncset.done $0x0  }
0x1e: {  	[sflag:s12] =	ssyncadd.s32 $0xFFFFFE00  }
0x1f: {  	[tilespmem:s15], [sflag:$0x1] =	stream.indirect.gather [hbm4b:s4+s14], $0x40, s3, s14, $0xb8;
	[tilespmem:$0x12400] =	vst v63  }
0x20: {  	_ = 	snop  }
0x21: {  	[tilespmem:s16], [sflag:$0x1] =	stream.indirect.gather [hbm4b:s4+s14], $0x40, s14, s14, $0xb8;
	[tilespmem:$0x12400] =	vst v63  }
0x22: {  	_ = 	snop  }
0x23: {  	[tilespmem:s18], [sflag:$0x1] =	stream.indirect.gather [hbm4b:s4+s14], $0x40, s17, s14, $0xb8;
	[tilespmem:$0x12400] =	vst v63  }
0x24: {  	_ = 	snop  }
0x25: {  	[tilespmem:s20], [sflag:$0x1] =	stream.indirect.gather [hbm4b:s4+s14], $0x40, s19, s14, $0xb8;
	[tilespmem:$0x12400] =	vst v63  }
0x26: {  	_ =	swait.ge [sflag:s21], $0x2000  }
0x27: {  	[sflag:s21] =	ssyncset.done $0x0  }
0x28: {  	[sflag:s21] =	ssyncadd.s32 $0xFFFFE000  }
0x29: {  	_ =	swait.ge [sflag:s21], $0x2000  }
0x2a: {  	[sflag:s21] =	ssyncset.done $0x0  }
0x2b: {  	[sflag:s21] =	ssyncadd.s32 $0xFFFFE000  }
0x2c: {  	_ =	swait.ge [sflag:s21], $0x2000  }
0x2d: {  	[sflag:s21] =	ssyncset.done $0x0  }
0x2e: {  	[sflag:s21] =	ssyncadd.s32 $0xFFFFE000  }
0x2f: {  	_ =	swait.ge [sflag:s21], $0x2000  }
0x30: {  	[sflag:s21] =	ssyncset.done $0x0  }
0x31: {  	[sflag:s21] =	ssyncadd.s32 $0xFFFFE000  }
0x32: {  	[spmem:s2] =	stream.indirect.scatter.add.f32 [tilespmem:s15], [sflag:$0x2], $0x40, s13, s14, $0xb8;
	[tilespmem:$0x12400] =	vst v63  }
0x33: {  	_ =	swait.ge [sflag:s12], $0x2000  }
0x34: {  	[sflag:s12] =	ssyncset.done $0x0  }
0x35: {  	[sflag:s12] =	ssyncadd.s32 $0xFFFFE000  }
0x36: {  	[spmem:s2] =	stream.indirect.scatter.add.f32 [tilespmem:s16], [sflag:$0x2], $0x40, s22, s14, $0xb8;
	[tilespmem:$0x12400] =	vst v63  }
0x37: {  	_ =	swait.ge [sflag:s12], $0x2000  }
0x38: {  	[sflag:s12] =	ssyncset.done $0x0  }
0x39: {  	[sflag:s12] =	ssyncadd.s32 $0xFFFFE000  }
0x3a: {  	[spmem:s2] =	stream.indirect.scatter.add.f32 [tilespmem:s18], [sflag:$0x2], $0x40, s23, s14, $0xb8;
	[tilespmem:$0x12400] =	vst v63  }
0x3b: {  	_ =	swait.ge [sflag:s12], $0x2000  }
0x3c: {  	[sflag:s12] =	ssyncset.done $0x0  }
0x3d: {  	[sflag:s12] =	ssyncadd.s32 $0xFFFFE000  }
0x3e: {  	[spmem:s2] =	stream.indirect.scatter.add.f32 [tilespmem:s20], [sflag:$0x2], $0x40, s24, s14, $0xb8;
	[tilespmem:$0x12400] =	vst v63  }
0x3f: {  	_ =	swait.ge [sflag:s12], $0x2000  }
0x40: {  	s29 =	simm.s32 $0x80;
	s26 =	simm.s32 $0x40;
	[sflag:s12] =	ssyncset.done $0x0  }
.LBB2_2:
0x41: {  	s30 =	sadd.s32 s26, s10  }
0x42: {  	[sflag:s12] =	ssyncadd.s32 $0xFFFFE000;
	s31 =	smov.u32 s29;
	s28 =	sadd.s32 $0x40, s29  }
0x43: {  	[tilespmem:s3], [sflag:$0x2] =	stream.linear.gather [hbm4b:s30+s3], $0x200, $0x38;
	[tilespmem:$0x12400] =	vst v63  }
0x44: {  	p0 =	sne.s32 s29, $0x4C0;
	_ =	swait.ge [sflag:s12], $0x200  }
0x45: {  	[sflag:s12] =	ssyncset.done $0x0  }
0x46: {  	s29 =	sadd.s32 s26, s9;
	s26 =	smov.u32 s31;
	[sflag:s12] =	ssyncadd.s32 $0xFFFFFE00  }
0x47: {  	[tilespmem:s13], [sflag:$0x2] =	stream.linear.gather [hbm4b:s29+s3], $0x200, $0x38;
	[tilespmem:$0x12400] =	vst v63  }
0x48: {  	_ =	swait.ge [sflag:s12], $0x200  }
0x49: {  	[sflag:s12] =	ssyncset.done $0x0  }
0x4a: {  	[sflag:s12] =	ssyncadd.s32 $0xFFFFFE00  }
0x4b: {  	[tilespmem:s15], [sflag:$0x1] =	stream.indirect.gather [hbm4b:s4+s14], $0x40, s3, s14, $0xb8;
	[tilespmem:$0x12400] =	vst v63  }
0x4c: {  	_ = 	snop  }
0x4d: {  	[tilespmem:s16], [sflag:$0x1] =	stream.indirect.gather [hbm4b:s4+s14], $0x40, s14, s14, $0xb8;
	[tilespmem:$0x12400] =	vst v63  }
0x4e: {  	_ = 	snop  }
0x4f: {  	[tilespmem:s18], [sflag:$0x1] =	stream.indirect.gather [hbm4b:s4+s14], $0x40, s17, s14, $0xb8;
	[tilespmem:$0x12400] =	vst v63  }
0x50: {  	_ = 	snop  }
0x51: {  	[tilespmem:s20], [sflag:$0x1] =	stream.indirect.gather [hbm4b:s4+s14], $0x40, s19, s14, $0xb8;
	[tilespmem:$0x12400] =	vst v63  }
0x52: {  	_ =	swait.ge [sflag:s21], $0x2000  }
0x53: {  	[sflag:s21] =	ssyncset.done $0x0  }
0x54: {  	[sflag:s21] =	ssyncadd.s32 $0xFFFFE000  }
0x55: {  	_ =	swait.ge [sflag:s21], $0x2000  }
0x56: {  	[sflag:s21] =	ssyncset.done $0x0  }
0x57: {  	[sflag:s21] =	ssyncadd.s32 $0xFFFFE000  }
0x58: {  	_ =	swait.ge [sflag:s21], $0x2000  }
0x59: {  	[sflag:s21] =	ssyncset.done $0x0  }
0x5a: {  	[sflag:s21] =	ssyncadd.s32 $0xFFFFE000  }
0x5b: {  	_ =	swait.ge [sflag:s21], $0x2000  }
0x5c: {  	[sflag:s21] =	ssyncset.done $0x0  }
0x5d: {  	[sflag:s21] =	ssyncadd.s32 $0xFFFFE000  }
0x5e: {  	[spmem:s2] =	stream.indirect.scatter.add.f32 [tilespmem:s15], [sflag:$0x2], $0x40, s13, s14, $0xb8;
	[tilespmem:$0x12400] =	vst v63  }
0x5f: {  	_ =	swait.ge [sflag:s12], $0x2000  }
0x60: {  	[sflag:s12] =	ssyncset.done $0x0  }
0x61: {  	[sflag:s12] =	ssyncadd.s32 $0xFFFFE000  }
0x62: {  	[spmem:s2] =	stream.indirect.scatter.add.f32 [tilespmem:s16], [sflag:$0x2], $0x40, s22, s14, $0xb8;
	[tilespmem:$0x12400] =	vst v63  }
0x63: {  	_ =	swait.ge [sflag:s12], $0x2000  }
0x64: {  	[sflag:s12] =	ssyncset.done $0x0  }
0x65: {  	[sflag:s12] =	ssyncadd.s32 $0xFFFFE000  }
0x66: {  	[spmem:s2] =	stream.indirect.scatter.add.f32 [tilespmem:s18], [sflag:$0x2], $0x40, s23, s14, $0xb8;
	[tilespmem:$0x12400] =	vst v63  }
0x67: {  	_ =	swait.ge [sflag:s12], $0x2000  }
.Ltmp0:
0x68: {  	[sflag:s12] =	ssyncset.done $0x0;
	(pc) =	sbr.rel @p0 .LBB2_2-.Ltmp0, $4  }
0x69: {  	[sflag:s12] =	ssyncadd.s32 $0xFFFFE000  }
0x6a: {  	[spmem:s2] =	stream.indirect.scatter.add.f32 [tilespmem:s20], [sflag:$0x2], $0x40, s24, s14, $0xb8;
	[tilespmem:$0x12400] =	vst v63  }
0x6b: {  	_ =	swait.ge [sflag:s12], $0x2000  }
0x6c: {  	s29 =	smov.u32 s28;
	[sflag:s12] =	ssyncset.done $0x0  }
0x6d: {  	s28 =	sadd.s32 s26, s10;
	[sflag:s12] =	ssyncadd.s32 $0xFFFFE000  }
0x6e: {  	[tilespmem:s3], [sflag:$0x2] =	stream.linear.gather [hbm4b:s28+s3], $0x200, $0x38;
	[tilespmem:$0x12400] =	vst v63  }
0x6f: {  	_ =	swait.ge [sflag:s12], $0x200  }
0x70: {  	[sflag:s12] =	ssyncset.done $0x0  }
0x71: {  	s31 =	sadd.s32 s26, s9;
	[sflag:s12] =	ssyncadd.s32 $0xFFFFFE00  }
0x72: {  	[tilespmem:s13], [sflag:$0x2] =	stream.linear.gather [hbm4b:s31+s3], $0x200, $0x38;
	[tilespmem:$0x12400] =	vst v63  }
0x73: {  	_ =	swait.ge [sflag:s12], $0x200  }
0x74: {  	[sflag:s12] =	ssyncset.done $0x0  }
0x75: {  	[sflag:s12] =	ssyncadd.s32 $0xFFFFFE00  }
0x76: {  	[tilespmem:s15], [sflag:$0x1] =	stream.indirect.gather [hbm4b:s4+s14], $0x40, s3, s14, $0xb8;
	[tilespmem:$0x12400] =	vst v63  }
0x77: {  	_ = 	snop  }
0x78: {  	[tilespmem:s16], [sflag:$0x1] =	stream.indirect.gather [hbm4b:s4+s14], $0x40, s14, s14, $0xb8;
	[tilespmem:$0x12400] =	vst v63  }
0x79: {  	_ = 	snop  }
0x7a: {  	[tilespmem:s18], [sflag:$0x1] =	stream.indirect.gather [hbm4b:s4+s14], $0x40, s17, s14, $0xb8;
	[tilespmem:$0x12400] =	vst v63  }
0x7b: {  	_ = 	snop  }
0x7c: {  	[tilespmem:s20], [sflag:$0x1] =	stream.indirect.gather [hbm4b:s4+s14], $0x40, s19, s14, $0xb8;
	[tilespmem:$0x12400] =	vst v63  }
0x7d: {  	_ =	swait.ge [sflag:s21], $0x2000  }
0x7e: {  	[sflag:s21] =	ssyncset.done $0x0  }
0x7f: {  	[sflag:s21] =	ssyncadd.s32 $0xFFFFE000  }
0x80: {  	_ =	swait.ge [sflag:s21], $0x2000  }
0x81: {  	[sflag:s21] =	ssyncset.done $0x0  }
0x82: {  	[sflag:s21] =	ssyncadd.s32 $0xFFFFE000  }
0x83: {  	_ =	swait.ge [sflag:s21], $0x2000  }
0x84: {  	[sflag:s21] =	ssyncset.done $0x0  }
0x85: {  	[sflag:s21] =	ssyncadd.s32 $0xFFFFE000  }
0x86: {  	_ =	swait.ge [sflag:s21], $0x2000  }
0x87: {  	[sflag:s21] =	ssyncset.done $0x0  }
0x88: {  	[sflag:s21] =	ssyncadd.s32 $0xFFFFE000  }
0x89: {  	[spmem:s2] =	stream.indirect.scatter.add.f32 [tilespmem:s15], [sflag:$0x2], $0x40, s13, s14, $0xb8;
	[tilespmem:$0x12400] =	vst v63  }
0x8a: {  	_ =	swait.ge [sflag:s12], $0x2000  }
0x8b: {  	[sflag:s12] =	ssyncset.done $0x0  }
0x8c: {  	[sflag:s12] =	ssyncadd.s32 $0xFFFFE000  }
0x8d: {  	[spmem:s2] =	stream.indirect.scatter.add.f32 [tilespmem:s16], [sflag:$0x2], $0x40, s22, s14, $0xb8;
	[tilespmem:$0x12400] =	vst v63  }
0x8e: {  	_ =	swait.ge [sflag:s12], $0x2000  }
0x8f: {  	[sflag:s12] =	ssyncset.done $0x0  }
0x90: {  	[sflag:s12] =	ssyncadd.s32 $0xFFFFE000  }
0x91: {  	[spmem:s2] =	stream.indirect.scatter.add.f32 [tilespmem:s18], [sflag:$0x2], $0x40, s23, s14, $0xb8;
	[tilespmem:$0x12400] =	vst v63  }
0x92: {  	_ =	swait.ge [sflag:s12], $0x2000  }
0x93: {  	[sflag:s12] =	ssyncset.done $0x0  }
0x94: {  	[sflag:s12] =	ssyncadd.s32 $0xFFFFE000  }
0x95: {  	[spmem:s2] =	stream.indirect.scatter.add.f32 [tilespmem:s20], [sflag:$0x2], $0x40, s24, s14, $0xb8;
	[tilespmem:$0x12400] =	vst v63  }
0x96: {  	_ =	swait.ge [sflag:s12], $0x2000  }
0x97: {  	s25 =	sadd.s32 $0x1, s25;
	[sflag:s12] =	ssyncset.done $0x0  }
0x98: {  	p0 =	sne.s32 s25, s8;
	[sflag:s12] =	ssyncadd.s32 $0xFFFFE000  }
.Ltmp1:
0x99: {  	[bflag:$0x0] =	sbarrier.arrive $0xFFFF;
	(pc) =	sbr.rel @p0 .LBB2_1-.Ltmp1, $4  }
0x9a: {  	[hbm:s7], [sflag:s6] =	dma.local [spmem:s11], $0x1400  }
0x9b: {  	_ =	swait.ge [sflag:s12], $0x1400  }
0x9c: {  	[sflag:s12] =	ssyncset.done $0x0  }
0x9d: {  	[sflag:s12] =	ssyncadd.s32 $0xFFFFEC00  }
0x9e: {  	_ =	sfence.sel $0x180000  }
0x9f: {  	[bflag:$0x0] =	sbarrier.arrive $0xFFFF  }
0xa0: {  	p0 =	sne.s32 s0, $0x0;
	_ =	strace $0x9000004A  }
0xa1: {  	s0 =	sadd.s32 @!p0 $0x100000, s1;
	[bflag:$0x2] =	sbarrier.arrive $0xFFFF  }
0xa2: {  	[sflag:s0] =	ssyncadd.tile.s32 @!p0 $0x1;
	_ =	shalt  }
.Lfunc_end2:
_tile_overlayer_lowered:
.L_overlay_start_2:
0xa3: {  	(tag) =	ssettag $0x2  }
0xa4: {  	s0 =	rddreg [dreg:$0x0];
	s2 =	stileid.u32  }
0xa5: {  	s1 =	rddreg [dreg:$0x1];
	p0 =	sne.s32 s2, $0x0  }
0xa6: {  	s3 =	rddreg [dreg:$0x2];
	[bflag:$0x3] =	sbarrier.arrive $0xFFFF;
	s2 =	simm.s32 @!p0 $0x1C02  }
0xa7: {  	[timem:s3], [sflag:s2] =	dma.local @!p0 [hbm:s0], s1  }
0xa8: {  	s0 =	simm.s32 @!p0 $0x2  }
0xa9: {  	_ =	swait.ge @!p0 [sflag:s0], s1  }
0xaa: {  	s1 =	ssub.s32 @!p0 $0x0, s1;
	[sflag:s0] =	ssyncset.done @!p0 $0x0  }
0xab: {  	[sflag:s0] =	ssyncadd.s32 @!p0 s1  }
0xac: {  	[bflag:$0x3] =	sbarrier.arrive $0xFFFF  }
0xad: {  	_ =	shalt  }

// kernel: kernel.7.cloned.1.call-start
scs
__scs_entry_jumppad:
0x0: {  	(pc) =	sbr.rel $0x88, $3  }
0x1: {  	(tag) =	ssettag $0x0;
	lr =	simm.s32 $0x1  }
0x2: {  	[smem:$0x3F92] =	sst lr;
	_ =	strace $0xD0000000  }
0x3: {  	_ = 	snop  }
0x4: {  	_ = 	snop  }
0x5: {  	_ = 	snop  }
0x6: {  	_ = 	snop  }
0x7: {  	_ = 	snop  }
__scs_overlays_trampoline_lowered:
0x8: {  	[smem:$0x3FA1] =	sst s0  }
0x9: {  	[smem:$0x3FA2] =	sst s1  }
0xa: {  	[smem:$0x3FA3] =	sst s2  }
0xb: {  	[smem:$0x3FA4] =	sst s3  }
0xc: {  	[smem:$0x3FA5] =	sst s4  }
0xd: {  	[smem:$0x3FA6] =	sst s5  }
0xe: {  	[smem:$0x3FA7] =	sst s6  }
0xf: {  	[smem:$0x3FA8] =	sst s7  }
0x10: {  	[smem:$0x3FA9] =	sst s8  }
0x11: {  	[smem:$0x3FAA] =	sst s9;
	s0 =	simm.s32 @!p0 $0x0  }
0x12: {  	s1 =	sld [smem:$0x3F90];
	s0 =	simm.s32 @p0 $0x1  }
0x13: {  	[smem:$0x3FAB] =	sst s0;
	s0 =	simm.s32 @!p1 $0x0  }
0x14: {  	s2 =	sld [smem:$0x3F8F];
	s0 =	simm.s32 @p1 $0x1  }
0x15: {  	[smem:$0x3FAC] =	sst s0;
	s0 =	simm.s32 @!p2 $0x0  }
0x16: {  	s3 =	sld [smem:$0x3FDB];
	s0 =	simm.s32 @p2 $0x1  }
0x17: {  	s4 =	simm.s32 $0x1BF5;
	[smem:$0x3FAE] =	sst s0  }
0x18: {  	s0 =	sld [smem:$0x3F91];
	_ =	swait.ge [sflag:s4], $0x0  }
0x19: {  	s7 =	sld [smem:$0x3F92]  }
0x1a: {  	s8 =	sadd.s32 $0xFFFFE003, lr  }
0x1b: {  	s9 =	sadd.s32 $0xFFFFFEF7, lr;
	s5 =	simm.s32 $0xFFFFFFFF;
	p2 =	slt.u32 s8, $0xFFFFF086  }
0x1c: {  	p1 =	slt.u32 s9, $0xF7A;
	s5 =	simm.s32 @!p2 $0x0  }
0x1d: {  	s5 =	simm.s32 @p1 $0x1;
	p0 =	seq.s32 s7, s2  }
0x1e: {  	s7 =	smul.u32 @!p0 $0xF7A, s2;
	p2 =	seq.s32 @!p0 s5, $0x0  }
0x1f: {  	s9 =	smul.u32 $0xF7A, s1;
	s8 =	simm.s32 @!p0 $0x1BF5;
	p2 =	por !p2, p0  }
0x20: {  	[sflag:s8] =	ssyncset.s32 @!p0 $0xFFFFF086;
	s6 =	sadd.s32 @!p0 s3, s7;
	s7 =	simm.s32 @!p0 $0x108  }
0x21: {  	s3 =	sadd.s32 s3, s9;
	s6 =	sadd.s32 @!p0 $0x88, s6;
	s7 =	simm.s32 @p2 $0x1082  }
0x22: {  	[simem:s7], [sflag:s8] =	dma.local @!p0 [hbm:s6], $0xF7A  }
0x23: {  	s9 =	sor.u32 $0xD0000000, s2;
	s6 =	simm.s32 $0x108;
	_ =	swait.ge @!p0 [sflag:s8], $0x0  }
0x24: {  	s3 =	sadd.s32 $0x88, s3;
	s6 =	simm.s32 @!p1 $0x1082;
	[sflag:s4] =	ssyncset.s32 $0xFFFFF086  }
0x25: {  	[simem:s6], [sflag:s4] =	dma.local [hbm:s3], $0xF7A  }
0x26: {  	[smem:$0x3F92] =	sst s1;
	(tag) =	ssettag s2;
	_ =	strace s9  }
0x27: {  	s1 =	sld [smem:$0x3FA2]  }
0x28: {  	s2 =	sld [smem:$0x3FA3]  }
0x29: {  	s4 =	sld [smem:$0x3FA5]  }
0x2a: {  	p0 =	seq.s32 s5, $0x0;
	s5 =	sld [smem:$0x3FA6]  }
0x2b: {  	s6 =	sld [smem:$0x3FA7]  }
0x2c: {  	s7 =	sld [smem:$0x3FA8]  }
0x2d: {  	s3 =	simm.s32 $0x108;
	s8 =	sld [smem:$0x3FA9]  }
0x2e: {  	s3 =	simm.s32 @!p0 $0x1082;
	s9 =	sld [smem:$0x3FAA]  }
0x2f: {  	lr =	sadd.s32 s0, s3;
	s0 =	sld [smem:$0x3FA1]  }
0x30: {  	s3 =	sld [smem:$0x3FA4]  }
0x31: {  	[smem:$0x3FAD] =	sst s10  }
0x32: {  	s10 =	sld [smem:$0x3FAB];
	_ =	sdelay $0x3  }
0x33: {  	p0 =	seq.s32 s10, $0x1;
	s10 =	sld [smem:$0x3FAD];
	_ =	sdelay $0x3  }
0x34: {  	[smem:$0x3FAD] =	sst s10  }
0x35: {  	s10 =	sld [smem:$0x3FAC];
	_ =	sdelay $0x3  }
0x36: {  	p1 =	seq.s32 s10, $0x1;
	s10 =	sld [smem:$0x3FAD];
	_ =	sdelay $0x3  }
0x37: {  	[smem:$0x3FAD] =	sst s10  }
0x38: {  	s10 =	sld [smem:$0x3FAE]  }
0x39: {  	_ = 	snop;
	(pc) =	sbr.ind lr, $3  }
0x3a: {  	_ = 	snop  }
0x3b: {  	_ = 	snop  }
0x3c: {  	p2 =	seq.s32 s10, $0x1;
	s10 =	sld [smem:$0x3FAD]  }
0x3d: {  	_ =	shalt  }
0x3e: {  	_ =	shalt  }
0x3f: {  	_ =	shalt  }
0x40: {  	_ =	shalt  }
0x41: {  	_ =	shalt  }
0x42: {  	_ =	shalt  }
0x43: {  	_ =	shalt  }
0x44: {  	_ =	shalt  }
0x45: {  	_ =	shalt  }
0x46: {  	_ =	shalt  }
0x47: {  	_ =	shalt  }
0x48: {  	_ =	shalt  }
0x49: {  	_ =	shalt  }
0x4a: {  	_ =	shalt  }
0x4b: {  	_ =	shalt  }
0x4c: {  	_ =	shalt  }
0x4d: {  	_ =	shalt  }
0x4e: {  	_ =	shalt  }
0x4f: {  	_ =	shalt  }
0x50: {  	_ =	shalt  }
0x51: {  	_ =	shalt  }
0x52: {  	_ =	shalt  }
0x53: {  	_ =	shalt  }
0x54: {  	_ =	shalt  }
0x55: {  	_ =	shalt  }
0x56: {  	_ =	shalt  }
0x57: {  	_ =	shalt  }
0x58: {  	_ =	shalt  }
0x59: {  	_ =	shalt  }
0x5a: {  	_ =	shalt  }
0x5b: {  	_ =	shalt  }
0x5c: {  	_ =	shalt  }
0x5d: {  	_ =	shalt  }
0x5e: {  	_ =	shalt  }
0x5f: {  	_ =	shalt  }
0x60: {  	_ =	shalt  }
0x61: {  	_ =	shalt  }
0x62: {  	_ =	shalt  }
0x63: {  	_ =	shalt  }
0x64: {  	_ =	shalt  }
0x65: {  	_ =	shalt  }
0x66: {  	_ =	shalt  }
0x67: {  	_ =	shalt  }
0x68: {  	_ =	shalt  }
0x69: {  	_ =	shalt  }
0x6a: {  	_ =	shalt  }
0x6b: {  	_ =	shalt  }
0x6c: {  	_ =	shalt  }
0x6d: {  	_ =	shalt  }
0x6e: {  	_ =	shalt  }
0x6f: {  	_ =	shalt  }
0x70: {  	_ =	shalt  }
0x71: {  	_ =	shalt  }
0x72: {  	_ =	shalt  }
0x73: {  	_ =	shalt  }
0x74: {  	_ =	shalt  }
0x75: {  	_ =	shalt  }
0x76: {  	_ =	shalt  }
0x77: {  	_ =	shalt  }
0x78: {  	_ =	shalt  }
0x79: {  	_ =	shalt  }
0x7a: {  	_ =	shalt  }
0x7b: {  	_ =	shalt  }
0x7c: {  	_ =	shalt  }
0x7d: {  	_ =	shalt  }
0x7e: {  	_ =	shalt  }
0x7f: {  	_ =	shalt  }
0x80: {  	_ =	shalt  }
0x81: {  	_ =	shalt  }
0x82: {  	_ =	shalt  }
0x83: {  	_ =	shalt  }
0x84: {  	_ =	shalt  }
0x85: {  	_ =	shalt  }
0x86: {  	_ =	shalt  }
0x87: {  	_ =	shalt  }
.Lfunc_end0:
.L_simem_size_0:
called_computation_lowered:
.L_overlay_start_0:
0x88: {  	s2 =	sld [smem:$0x3FD9]  }
0x89: {  	s3 =	sld [smem:$0x3FFE];
	_ =	sdelay $0x1  }
0x8a: {  	s1 =	srdreg.scid  }
0x8b: {  	s0 =	sand.u32 $0x1, s1  }
0x8c: {  	s17 =	sshll.u32 s0, $0xA;
	s2 =	sadd.s32 s3, s2  }
0x8d: {  	s2 =	sadd.s32 s2, s17  }
0x8e: {  	[smem:$0x3FB9] =	sst s2  }
0x8f: {  	_ = 	snop  }
0x90: {  	s2 =	sld [smem:$0x3FD0];
	(tm) =	ssettm $0x1  }
0x91: {  	s18 =	sld [smem:$0x3FFB];
	_ =	sdelay $0x3  }
0x92: {  	_ =	strace s18  }
0x93: {  	s3 =	sld [smem:$0x3FFC];
	_ =	sdelay $0x3  }
0x94: {  	_ =	strace s3  }
0x95: {  	s3 =	sld [smem:$0x3FFD];
	_ =	sdelay $0x3  }
0x96: {  	_ =	strace s3  }
0x97: {  	_ =	strace $0x8FFFFFFF  }
0x98: {  	s19 =	sld [smem:$0x3FDB];
	_ =	sdelay $0x1  }
0x99: {  	s4 =	simm.s32 $_scs_section_size  }
0x9a: {  	s5 =	simm.s32 $_size__tile_overlayer_lowered;
	s6 =	simm.s32 $_tile_overlayer_lowered  }
0x9b: {  	s22 =	simm.s32 $0x1BFF;
	s21 =	sshll.u32 s6, $0x1;
	s3 =	sadd.s32 s4, s19  }
0x9c: {  	s7 =	simm.s32 $0x0;
	s20 =	sshll.u32 s5, $0x1;
	s5 =	sadd.s32 s21, s3  }
0x9d: {  	[timem:s7], [sflag:s22] =	dma.local [hbm:s5], s20  }
0x9e: {  	_ =	swait.ge [sflag:s22], s20  }
0x9f: {  	s4 =	ssub.s32 $0x0, s20;
	[sflag:s22] =	ssyncset.done $0x0  }
0xa0: {  	[sflag:s22] =	ssyncadd.s32 s4;
	_ =	sdelay $0x1  }
0xa1: {  	s23 =	simm.s32 $0x1B8B  }
0xa2: {  	_ =	swait.ge [sflag:s23], $0x1  }
0xa3: {  	[sflag:s23] =	ssyncset.done $0x0  }
0xa4: {  	s25 =	simm.s32 $0x1B8E;
	s24 =	sld [smem:$0x3FFE];
	[sflag:s23] =	ssyncadd.s32 $0xFFFFFFFF  }
0xa5: {  	s26 =	simm.s32 $execute0_lowered;
	[smem:$0x3FD2] =	sst s25  }
0xa6: {  	s5 =	sshll.u32 s26, $0x1;
	_ =	strace $0x80000046;
	[dreg:$0x1] =	wrdreg $0xFFFFFFFF  }
0xa7: {  	s28 =	simm.s32 $_size_execute0_lowered;
	s3 =	sadd.s32 s3, s5;
	[dreg:$0x0] =	wrdreg $0x0  }
0xa8: {  	s5 =	sshll.u32 s28, $0x1;
	[dreg:$0x2] =	wrdreg s3  }
0xa9: {  	[dreg:$0x3] =	wrdreg s5  }
0xaa: {  	[dreg:$0x4] =	wrdreg $0xC0  }
0xab: {  	_ =	task [dreg:s7], $0x5FFFF  }
0xac: {  	[dreg:$0x1] =	wrdreg $0xFFFFFFFF  }
0xad: {  	[dreg:$0x0] =	wrdreg $0x60  }
0xae: {  	[dreg:$0x2] =	wrdreg s24  }
0xaf: {  	[dreg:$0x3] =	wrdreg s2  }
0xb0: {  	[dreg:$0x4] =	wrdreg $0x8C000  }
0xb1: {  	[dreg:$0x5] =	wrdreg $0x12C000  }
0xb2: {  	[dreg:$0x6] =	wrdreg $0x9  }
0xb3: {  	_ =	task.clear_ibuf [dreg:s7], $0x7FFFF;
	_ =	strace $0x90000046  }
0xb4: {  	s29 =	simm.s32 $0x9;
	_ =	strace $0x80000048  }
0xb5: {  	_ =	swait.ge [sflag:s29], $0x1  }
0xb6: {  	[sflag:s29] =	ssyncadd.s32 $0xFFFFFFFF  }
0xb7: {  	_ =	strace $0x90000048  }
0xb8: {  	_ =	sfence  }
0xb9: {  	s30 =	sld [smem:$0x0];
	_ =	sdelay $0x2  }
0xba: {  	s31 =	sshll.u32 s1, $0xD;
	s1 =	sshrl.u32 s1, $0x2  }
0xbb: {  	s3 =	sand.u32 $0x4000, s31;
	s1 =	sadd.s32 s1, s30  }
0xbc: {  	s0 =	sor.u32 s3, s0;
	s1 =	sshll.u32 s1, $0x11  }
0xbd: {  	s0 =	sor.u32 s1, s0  }
0xbe: {  	s0 =	sadd.s32 $0x8F2B, s0  }
0xbf: {  	[sflag:s0] =	ssyncadd.remote.s32 $0x1  }
0xc0: {  	_ =	sfence.sel $0xFFFF  }
0xc1: {  	[dreg:$0x0] =	wrdreg $0xFFFFFFFF;
	(pc) =	sbr.abs _section_cstart, $3  }
0xc2: {  	[dreg:$0x1] =	wrdreg $0xFFFFFFFF  }
0xc3: {  	_ =	task.clear_ibuf [dreg:s7], $0x2FFFF;
	_ =	strace $0x9FFFFFFF  }
0xc4: {  	(tm) =	ssettm $0x7FFFFFFF  }
0xc5: {  	_ =	shalt  }
tec
execute0_lowered:
.L_overlay_start_1:
0x0: {  	(tag) =	ssettag $0x1  }
0x1: {  	s0 =	rddreg [dreg:$0x0]  }
0x2: {  	s1 =	srdreg.scid;
	s3 =	rddreg [dreg:$0x2]  }
0x3: {  	s14 =	stileid.u32;
	s4 =	rddreg [dreg:$0x3];
	s5 =	simm.s32 $0x0  }
0x4: {  	s16 =	simm.s32 $0x2;
	s18 =	simm.s32 $0x8400;
	s19 =	simm.s32 $0x200  }
0x5: {  	s20 =	simm.s32 $0x80;
	s21 =	simm.s32 $0x400;
	s2 =	smul.u32 $0x5000, s14  }
0x6: {  	s28 =	simm.s32 $0x1;
	s29 =	simm.s32 $0x280;
	s7 =	smul.u32 $0xA000, s14  }
0x7: {  	s30 =	simm.s32 $0x300;
	s1 =	sand.u32 $0x1, s1;
	s9 =	smul.u32 $0x2800, s14  }
0x8: {  	s31 =	simm.s32 $0x380;
	[smem:$0x7FF] =	sst s5;
	s6 =	smul.u32 $0x2800, s1  }
0x9: {  	s24 =	sshll.u32 s14, $0x6;
	_ =	strace $0x80000047;
	s8 =	smul.u32 $0xA0000, s1  }
0xa: {  	s12 =	smul.u32 $0x28000, s1;
	s1 =	ssub.s32 $0x2, s1;
	s10 =	sshrl.u32 s7, $0x3  }
0xb: {  	s11 =	sshrl.u32 s9, $0x3;
	s23 =	sshrl.u32 s1, $0x1;
	s17 =	sadd.s32 s9, s4  }
0xc: {  	s2 =	sadd.s32 s6, s2;
	s6 =	sadd.s32 $0x2400, s0;
	s10 =	sadd.s32 s10, s0  }
0xd: {  	s11 =	sadd.s32 s11, s0;
	s8 =	sadd.s32 s7, s8;
	s12 =	sadd.s32 s9, s12  }
0xe: {  	s1 =	ssub.s32 s1, s23;
	s7 =	sadd.s32 s7, s3;
	s17 =	sshrl.u32 s17, $0x3  }
0xf: {  	s23 =	simm.s32 $0x100;
	s2 =	sshrl.u32 s2, $0x3;
	s8 =	sshrl.u32 s8, $0x3  }
0x10: {  	s22 =	sshrl.u32 s12, $0x3;
	s10 =	sadd.s32 $0x2A400, s10;
	s25 =	sadd.s32 $0x3E400, s11  }
0x11: {  	s12 =	smax.u32 s1, $0x1;
	s15 =	sshrl.u32 s7, $0x3;
	s2 =	sadd.s32 s2, s0  }
0x12: {  	s13 =	sadd.s32 s8, s0;
	s0 =	sadd.s32 s22, s0;
	[dreg:$0x5] =	wrdreg s10  }
0x13: {  	s8 =	sor.u32 $0x1C02, s24;
	[dreg:$0x6] =	wrdreg s25;
	s22 =	simm.s32 $0x2400  }
0x14: {  	s24 =	simm.s32 $0x4400;
	s25 =	simm.s32 $0x180;
	s26 =	sadd.s32 $0x4D400, s13  }
0x15: {  	s11 =	sadd.s32 $0x43400, s0;
	s13 =	sadd.s32 $0x16400, s2;
	s14 =	sadd.s32 $0x20400, s2  }
0x16: {  	s2 =	simm.s32 $0x0;
	[dreg:$0x7] =	wrdreg s26;
	s26 =	simm.s32 $0x6400  }
.LBB2_1:
0x17: {  	s0 =	rddreg [dreg:$0x5]  }
0x18: {  	[spmem:s15], [sflag:s8] =	dma.local [hbm:s0], $0x1400  }
0x19: {  	_ =	swait.ge [sflag:s16], $0x1400  }
0x1a: {  	[sflag:s16] =	ssyncset.done $0x0  }
0x1b: {  	s1 =	rddreg [dreg:$0x6];
	[sflag:s16] =	ssyncadd.s32 $0xFFFFEC00  }
0x1c: {  	[spmem:s17], [sflag:s8] =	dma.local [hbm:s1], $0x500  }
0x1d: {  	_ =	swait.ge [sflag:s16], $0x500  }
0x1e: {  	[sflag:s16] =	ssyncset.done $0x0  }
0x1f: {  	[sflag:s16] =	ssyncadd.s32 $0xFFFFFB00  }
0x20: {  	s7 =	rddreg [dreg:$0x1]  }
0x21: {  	[tilespmem:s18], [sflag:$0x2] =	stream.linear.gather [hbm4b:s7+s5], $0x800, $0x38;
	[tilespmem:$0x15400] =	vst v63  }
0x22: {  	_ =	swait.ge [sflag:s16], $0x800  }
0x23: {  	[sflag:s16] =	ssyncset.done $0x0  }
0x24: {  	[sflag:s16] =	ssyncadd.s32 $0xFFFFF800  }
0x25: {  	s9 =	sadd.s32 $0x0, s14;
	[bflag:$0x0] =	sbarrier.arrive $0xFFFF  }
0x26: {  	[tilespmem:s5], [sflag:$0x2] =	stream.linear.gather [hbm4b:s9+s5], $0x200, $0x38;
	[tilespmem:$0x15400] =	vst v63  }
0x27: {  	_ =	swait.ge [sflag:s16], $0x200  }
0x28: {  	[sflag:s16] =	ssyncset.done $0x0  }
0x29: {  	s10 =	sadd.s32 $0x0, s13;
	[sflag:s16] =	ssyncadd.s32 $0xFFFFFE00  }
0x2a: {  	[tilespmem:s19], [sflag:$0x2] =	stream.linear.gather [hbm4b:s10+s5], $0x200, $0x38;
	[tilespmem:$0x15400] =	vst v63  }
0x2b: {  	_ =	swait.ge [sflag:s16], $0x200  }
0x2c: {  	[sflag:s16] =	ssyncset.done $0x0  }
0x2d: {  	[sflag:s16] =	ssyncadd.s32 $0xFFFFFE00  }
0x2e: {  	[tilespmem:s21], [sflag:$0x1] =	stream.indirect.gather [hbm4b:s6+s20], $0x40, s5, s20, $0xb8;
	[tilespmem:$0x15400] =	vst v63  }
0x2f: {  	_ = 	snop  }
0x30: {  	[tilespmem:s22], [sflag:$0x1] =	stream.indirect.gather [hbm4b:s6+s20], $0x40, s20, s20, $0xb8;
	[tilespmem:$0x15400] =	vst v63  }
0x31: {  	_ = 	snop  }
0x32: {  	[tilespmem:s24], [sflag:$0x1] =	stream.indirect.gather [hbm4b:s6+s20], $0x40, s23, s20, $0xb8;
	[tilespmem:$0x15400] =	vst v63  }
0x33: {  	_ = 	snop  }
0x34: {  	[tilespmem:s26], [sflag:$0x1] =	stream.indirect.gather [hbm4b:s6+s20], $0x40, s25, s20, $0xb8;
	[tilespmem:$0x15400] =	vst v63  }
0x35: {  	_ =	swait.ge [sflag:s28], $0x2000  }
0x36: {  	[sflag:s28] =	ssyncset.done $0x0  }
0x37: {  	[sflag:s28] =	ssyncadd.s32 $0xFFFFE000  }
0x38: {  	_ =	swait.ge [sflag:s28], $0x2000  }
0x39: {  	[sflag:s28] =	ssyncset.done $0x0  }
0x3a: {  	[sflag:s28] =	ssyncadd.s32 $0xFFFFE000  }
0x3b: {  	_ =	swait.ge [sflag:s28], $0x2000  }
0x3c: {  	[sflag:s28] =	ssyncset.done $0x0  }
0x3d: {  	[sflag:s28] =	ssyncadd.s32 $0xFFFFE000  }
0x3e: {  	_ =	swait.ge [sflag:s28], $0x2000  }
0x3f: {  	[sflag:s28] =	ssyncset.done $0x0  }
0x40: {  	[sflag:s28] =	ssyncadd.s32 $0xFFFFE000  }
0x41: {  	[spmem:s3] =	stream.indirect.scatter.add.f32 [tilespmem:s21], [sflag:$0x2], $0x40, s19, s20, $0xb8;
	[tilespmem:$0x15400] =	vst v63  }
0x42: {  	_ =	swait.ge [sflag:s16], $0x2000  }
0x43: {  	[sflag:s16] =	ssyncset.done $0x0  }
0x44: {  	[sflag:s16] =	ssyncadd.s32 $0xFFFFE000  }
0x45: {  	[spmem:s4] =	stream.indirect.scatter.add.f32 [tilespmem:s18], [sflag:$0x2], $0x10, s19, s20, $0xb8;
	[tilespmem:$0x15400] =	vst v63  }
0x46: {  	_ =	swait.ge [sflag:s16], $0x800  }
0x47: {  	[sflag:s16] =	ssyncset.done $0x0  }
0x48: {  	[sflag:s16] =	ssyncadd.s32 $0xFFFFF800  }
0x49: {  	[spmem:s3] =	stream.indirect.scatter.add.f32 [tilespmem:s22], [sflag:$0x2], $0x40, s29, s20, $0xb8;
	[tilespmem:$0x15400] =	vst v63  }
0x4a: {  	_ =	swait.ge [sflag:s16], $0x2000  }
0x4b: {  	[sflag:s16] =	ssyncset.done $0x0  }
0x4c: {  	[sflag:s16] =	ssyncadd.s32 $0xFFFFE000  }
0x4d: {  	[spmem:s4] =	stream.indirect.scatter.add.f32 [tilespmem:s18], [sflag:$0x2], $0x10, s29, s20, $0xb8;
	[tilespmem:$0x15400] =	vst v63  }
0x4e: {  	_ =	swait.ge [sflag:s16], $0x800  }
0x4f: {  	[sflag:s16] =	ssyncset.done $0x0  }
0x50: {  	[sflag:s16] =	ssyncadd.s32 $0xFFFFF800  }
0x51: {  	[spmem:s3] =	stream.indirect.scatter.add.f32 [tilespmem:s24], [sflag:$0x2], $0x40, s30, s20, $0xb8;
	[tilespmem:$0x15400] =	vst v63  }
0x52: {  	_ =	swait.ge [sflag:s16], $0x2000  }
0x53: {  	[sflag:s16] =	ssyncset.done $0x0  }
0x54: {  	[sflag:s16] =	ssyncadd.s32 $0xFFFFE000  }
0x55: {  	[spmem:s4] =	stream.indirect.scatter.add.f32 [tilespmem:s18], [sflag:$0x2], $0x10, s30, s20, $0xb8;
	[tilespmem:$0x15400] =	vst v63  }
0x56: {  	_ =	swait.ge [sflag:s16], $0x800  }
0x57: {  	[sflag:s16] =	ssyncset.done $0x0  }
0x58: {  	[sflag:s16] =	ssyncadd.s32 $0xFFFFF800  }
0x59: {  	[spmem:s3] =	stream.indirect.scatter.add.f32 [tilespmem:s26], [sflag:$0x2], $0x40, s31, s20, $0xb8;
	[tilespmem:$0x15400] =	vst v63  }
0x5a: {  	_ =	swait.ge [sflag:s16], $0x2000  }
0x5b: {  	[sflag:s16] =	ssyncset.done $0x0  }
0x5c: {  	[sflag:s16] =	ssyncadd.s32 $0xFFFFE000  }
0x5d: {  	[spmem:s4] =	stream.indirect.scatter.add.f32 [tilespmem:s18], [sflag:$0x2], $0x10, s31, s20, $0xb8;
	[tilespmem:$0x15400] =	vst v63  }
0x5e: {  	_ =	swait.ge [sflag:s16], $0x800  }
0x5f: {  	s0 =	simm.s32 $0x40;
	s1 =	simm.s32 $0x80;
	[sflag:s16] =	ssyncset.done $0x0  }
.LBB2_2:
0x60: {  	s9 =	sadd.s32 s0, s14  }
0x61: {  	[sflag:s16] =	ssyncadd.s32 $0xFFFFF800;
	s10 =	smov.u32 s1;
	s7 =	sadd.s32 $0x40, s1  }
0x62: {  	[tilespmem:s5], [sflag:$0x2] =	stream.linear.gather [hbm4b:s9+s5], $0x200, $0x38;
	[tilespmem:$0x15400] =	vst v63  }
0x63: {  	p0 =	sne.s32 s1, $0x4C0;
	_ =	swait.ge [sflag:s16], $0x200  }
0x64: {  	[sflag:s16] =	ssyncset.done $0x0  }
0x65: {  	s1 =	sadd.s32 s0, s13;
	s0 =	smov.u32 s10;
	[sflag:s16] =	ssyncadd.s32 $0xFFFFFE00  }
0x66: {  	[tilespmem:s19], [sflag:$0x2] =	stream.linear.gather [hbm4b:s1+s5], $0x200, $0x38;
	[tilespmem:$0x15400] =	vst v63  }
0x67: {  	_ =	swait.ge [sflag:s16], $0x200  }
0x68: {  	[sflag:s16] =	ssyncset.done $0x0  }
0x69: {  	[sflag:s16] =	ssyncadd.s32 $0xFFFFFE00  }
0x6a: {  	[tilespmem:s21], [sflag:$0x1] =	stream.indirect.gather [hbm4b:s6+s20], $0x40, s5, s20, $0xb8;
	[tilespmem:$0x15400] =	vst v63  }
0x6b: {  	_ = 	snop  }
0x6c: {  	[tilespmem:s22], [sflag:$0x1] =	stream.indirect.gather [hbm4b:s6+s20], $0x40, s20, s20, $0xb8;
	[tilespmem:$0x15400] =	vst v63  }
0x6d: {  	_ = 	snop  }
0x6e: {  	[tilespmem:s24], [sflag:$0x1] =	stream.indirect.gather [hbm4b:s6+s20], $0x40, s23, s20, $0xb8;
	[tilespmem:$0x15400] =	vst v63  }
0x6f: {  	_ = 	snop  }
0x70: {  	[tilespmem:s26], [sflag:$0x1] =	stream.indirect.gather [hbm4b:s6+s20], $0x40, s25, s20, $0xb8;
	[tilespmem:$0x15400] =	vst v63  }
0x71: {  	_ =	swait.ge [sflag:s28], $0x2000  }
0x72: {  	[sflag:s28] =	ssyncset.done $0x0  }
0x73: {  	[sflag:s28] =	ssyncadd.s32 $0xFFFFE000  }
0x74: {  	_ =	swait.ge [sflag:s28], $0x2000  }
0x75: {  	[sflag:s28] =	ssyncset.done $0x0  }
0x76: {  	[sflag:s28] =	ssyncadd.s32 $0xFFFFE000  }
0x77: {  	_ =	swait.ge [sflag:s28], $0x2000  }
0x78: {  	[sflag:s28] =	ssyncset.done $0x0  }
0x79: {  	[sflag:s28] =	ssyncadd.s32 $0xFFFFE000  }
0x7a: {  	_ =	swait.ge [sflag:s28], $0x2000  }
0x7b: {  	[sflag:s28] =	ssyncset.done $0x0  }
0x7c: {  	[sflag:s28] =	ssyncadd.s32 $0xFFFFE000  }
0x7d: {  	[spmem:s3] =	stream.indirect.scatter.add.f32 [tilespmem:s21], [sflag:$0x2], $0x40, s19, s20, $0xb8;
	[tilespmem:$0x15400] =	vst v63  }
0x7e: {  	_ =	swait.ge [sflag:s16], $0x2000  }
0x7f: {  	[sflag:s16] =	ssyncset.done $0x0  }
0x80: {  	[sflag:s16] =	ssyncadd.s32 $0xFFFFE000  }
0x81: {  	[spmem:s4] =	stream.indirect.scatter.add.f32 [tilespmem:s18], [sflag:$0x2], $0x10, s19, s20, $0xb8;
	[tilespmem:$0x15400] =	vst v63  }
0x82: {  	_ =	swait.ge [sflag:s16], $0x800  }
0x83: {  	[sflag:s16] =	ssyncset.done $0x0  }
0x84: {  	[sflag:s16] =	ssyncadd.s32 $0xFFFFF800  }
0x85: {  	[spmem:s3] =	stream.indirect.scatter.add.f32 [tilespmem:s22], [sflag:$0x2], $0x40, s29, s20, $0xb8;
	[tilespmem:$0x15400] =	vst v63  }
0x86: {  	_ =	swait.ge [sflag:s16], $0x2000  }
0x87: {  	[sflag:s16] =	ssyncset.done $0x0  }
0x88: {  	[sflag:s16] =	ssyncadd.s32 $0xFFFFE000  }
0x89: {  	[spmem:s4] =	stream.indirect.scatter.add.f32 [tilespmem:s18], [sflag:$0x2], $0x10, s29, s20, $0xb8;
	[tilespmem:$0x15400] =	vst v63  }
0x8a: {  	_ =	swait.ge [sflag:s16], $0x800  }
0x8b: {  	[sflag:s16] =	ssyncset.done $0x0  }
0x8c: {  	[sflag:s16] =	ssyncadd.s32 $0xFFFFF800  }
0x8d: {  	[spmem:s3] =	stream.indirect.scatter.add.f32 [tilespmem:s24], [sflag:$0x2], $0x40, s30, s20, $0xb8;
	[tilespmem:$0x15400] =	vst v63  }
0x8e: {  	_ =	swait.ge [sflag:s16], $0x2000  }
0x8f: {  	[sflag:s16] =	ssyncset.done $0x0  }
0x90: {  	[sflag:s16] =	ssyncadd.s32 $0xFFFFE000  }
0x91: {  	[spmem:s4] =	stream.indirect.scatter.add.f32 [tilespmem:s18], [sflag:$0x2], $0x10, s30, s20, $0xb8;
	[tilespmem:$0x15400] =	vst v63  }
0x92: {  	_ =	swait.ge [sflag:s16], $0x800  }
0x93: {  	[sflag:s16] =	ssyncset.done $0x0  }
0x94: {  	[sflag:s16] =	ssyncadd.s32 $0xFFFFF800  }
0x95: {  	[spmem:s3] =	stream.indirect.scatter.add.f32 [tilespmem:s26], [sflag:$0x2], $0x40, s31, s20, $0xb8;
	[tilespmem:$0x15400] =	vst v63  }
0x96: {  	_ =	swait.ge [sflag:s16], $0x2000  }
.Ltmp0:
0x97: {  	[sflag:s16] =	ssyncset.done $0x0;
	(pc) =	sbr.rel @p0 .LBB2_2-.Ltmp0, $4  }
0x98: {  	[sflag:s16] =	ssyncadd.s32 $0xFFFFE000  }
0x99: {  	[spmem:s4] =	stream.indirect.scatter.add.f32 [tilespmem:s18], [sflag:$0x2], $0x10, s31, s20, $0xb8;
	[tilespmem:$0x15400] =	vst v63  }
0x9a: {  	_ =	swait.ge [sflag:s16], $0x800  }
0x9b: {  	s1 =	smov.u32 s7;
	[sflag:s16] =	ssyncset.done $0x0  }
0x9c: {  	s1 =	sadd.s32 s0, s14;
	[sflag:s16] =	ssyncadd.s32 $0xFFFFF800  }
0x9d: {  	[tilespmem:s5], [sflag:$0x2] =	stream.linear.gather [hbm4b:s1+s5], $0x200, $0x38;
	[tilespmem:$0x15400] =	vst v63  }
0x9e: {  	_ =	swait.ge [sflag:s16], $0x200  }
0x9f: {  	[sflag:s16] =	ssyncset.done $0x0  }
0xa0: {  	s9 =	sadd.s32 s0, s13;
	[sflag:s16] =	ssyncadd.s32 $0xFFFFFE00  }
0xa1: {  	[tilespmem:s19], [sflag:$0x2] =	stream.linear.gather [hbm4b:s9+s5], $0x200, $0x38;
	[tilespmem:$0x15400] =	vst v63  }
0xa2: {  	_ =	swait.ge [sflag:s16], $0x200  }
0xa3: {  	[sflag:s16] =	ssyncset.done $0x0  }
0xa4: {  	[sflag:s16] =	ssyncadd.s32 $0xFFFFFE00  }
0xa5: {  	[tilespmem:s21], [sflag:$0x1] =	stream.indirect.gather [hbm4b:s6+s20], $0x40, s5, s20, $0xb8;
	[tilespmem:$0x15400] =	vst v63  }
0xa6: {  	_ = 	snop  }
0xa7: {  	[tilespmem:s22], [sflag:$0x1] =	stream.indirect.gather [hbm4b:s6+s20], $0x40, s20, s20, $0xb8;
	[tilespmem:$0x15400] =	vst v63  }
0xa8: {  	_ = 	snop  }
0xa9: {  	[tilespmem:s24], [sflag:$0x1] =	stream.indirect.gather [hbm4b:s6+s20], $0x40, s23, s20, $0xb8;
	[tilespmem:$0x15400] =	vst v63  }
0xaa: {  	_ = 	snop  }
0xab: {  	[tilespmem:s26], [sflag:$0x1] =	stream.indirect.gather [hbm4b:s6+s20], $0x40, s25, s20, $0xb8;
	[tilespmem:$0x15400] =	vst v63  }
0xac: {  	_ =	swait.ge [sflag:s28], $0x2000  }
0xad: {  	[sflag:s28] =	ssyncset.done $0x0  }
0xae: {  	[sflag:s28] =	ssyncadd.s32 $0xFFFFE000  }
0xaf: {  	_ =	swait.ge [sflag:s28], $0x2000  }
0xb0: {  	[sflag:s28] =	ssyncset.done $0x0  }
0xb1: {  	[sflag:s28] =	ssyncadd.s32 $0xFFFFE000  }
0xb2: {  	_ =	swait.ge [sflag:s28], $0x2000  }
0xb3: {  	[sflag:s28] =	ssyncset.done $0x0  }
0xb4: {  	[sflag:s28] =	ssyncadd.s32 $0xFFFFE000  }
0xb5: {  	_ =	swait.ge [sflag:s28], $0x2000  }
0xb6: {  	[sflag:s28] =	ssyncset.done $0x0  }
0xb7: {  	[sflag:s28] =	ssyncadd.s32 $0xFFFFE000  }
0xb8: {  	[spmem:s3] =	stream.indirect.scatter.add.f32 [tilespmem:s21], [sflag:$0x2], $0x40, s19, s20, $0xb8;
	[tilespmem:$0x15400] =	vst v63  }
0xb9: {  	_ =	swait.ge [sflag:s16], $0x2000  }
0xba: {  	[sflag:s16] =	ssyncset.done $0x0  }
0xbb: {  	[sflag:s16] =	ssyncadd.s32 $0xFFFFE000  }
0xbc: {  	[spmem:s4] =	stream.indirect.scatter.add.f32 [tilespmem:s18], [sflag:$0x2], $0x10, s19, s20, $0xb8;
	[tilespmem:$0x15400] =	vst v63  }
0xbd: {  	_ =	swait.ge [sflag:s16], $0x800  }
0xbe: {  	[sflag:s16] =	ssyncset.done $0x0  }
0xbf: {  	[sflag:s16] =	ssyncadd.s32 $0xFFFFF800  }
0xc0: {  	[spmem:s3] =	stream.indirect.scatter.add.f32 [tilespmem:s22], [sflag:$0x2], $0x40, s29, s20, $0xb8;
	[tilespmem:$0x15400] =	vst v63  }
0xc1: {  	_ =	swait.ge [sflag:s16], $0x2000  }
0xc2: {  	[sflag:s16] =	ssyncset.done $0x0  }
0xc3: {  	[sflag:s16] =	ssyncadd.s32 $0xFFFFE000  }
0xc4: {  	[spmem:s4] =	stream.indirect.scatter.add.f32 [tilespmem:s18], [sflag:$0x2], $0x10, s29, s20, $0xb8;
	[tilespmem:$0x15400] =	vst v63  }
0xc5: {  	_ =	swait.ge [sflag:s16], $0x800  }
0xc6: {  	[sflag:s16] =	ssyncset.done $0x0  }
0xc7: {  	[sflag:s16] =	ssyncadd.s32 $0xFFFFF800  }
0xc8: {  	[spmem:s3] =	stream.indirect.scatter.add.f32 [tilespmem:s24], [sflag:$0x2], $0x40, s30, s20, $0xb8;
	[tilespmem:$0x15400] =	vst v63  }
0xc9: {  	_ =	swait.ge [sflag:s16], $0x2000  }
0xca: {  	[sflag:s16] =	ssyncset.done $0x0  }
0xcb: {  	[sflag:s16] =	ssyncadd.s32 $0xFFFFE000  }
0xcc: {  	[spmem:s4] =	stream.indirect.scatter.add.f32 [tilespmem:s18], [sflag:$0x2], $0x10, s30, s20, $0xb8;
	[tilespmem:$0x15400] =	vst v63  }
0xcd: {  	_ =	swait.ge [sflag:s16], $0x800  }
0xce: {  	[sflag:s16] =	ssyncset.done $0x0  }
0xcf: {  	[sflag:s16] =	ssyncadd.s32 $0xFFFFF800  }
0xd0: {  	[spmem:s3] =	stream.indirect.scatter.add.f32 [tilespmem:s26], [sflag:$0x2], $0x40, s31, s20, $0xb8;
	[tilespmem:$0x15400] =	vst v63  }
0xd1: {  	_ =	swait.ge [sflag:s16], $0x2000  }
0xd2: {  	[sflag:s16] =	ssyncset.done $0x0  }
0xd3: {  	[sflag:s16] =	ssyncadd.s32 $0xFFFFE000  }
0xd4: {  	[spmem:s4] =	stream.indirect.scatter.add.f32 [tilespmem:s18], [sflag:$0x2], $0x10, s31, s20, $0xb8;
	[tilespmem:$0x15400] =	vst v63  }
0xd5: {  	_ =	swait.ge [sflag:s16], $0x800  }
0xd6: {  	[sflag:s16] =	ssyncset.done $0x0  }
0xd7: {  	[sflag:s16] =	ssyncadd.s32 $0xFFFFF800  }
0xd8: {  	[bflag:$0x0] =	sbarrier.arrive $0xFFFF  }
0xd9: {  	s10 =	rddreg [dreg:$0x7]  }
0xda: {  	[hbm:s10], [sflag:s8] =	dma.local [spmem:s15], $0x1400  }
0xdb: {  	s2 =	sadd.s32 $0x1, s2;
	_ =	swait.ge [sflag:s16], $0x1400  }
0xdc: {  	p0 =	sne.s32 s2, s12;
	[sflag:s16] =	ssyncset.done $0x0  }
.Ltmp1:
0xdd: {  	[sflag:s16] =	ssyncadd.s32 $0xFFFFEC00;
	(pc) =	sbr.rel @p0 .LBB2_1-.Ltmp1, $4  }
0xde: {  	[hbm:s11], [sflag:s8] =	dma.local [spmem:s17], $0x500  }
0xdf: {  	_ =	swait.ge [sflag:s16], $0x500  }
0xe0: {  	[sflag:s16] =	ssyncset.done $0x0  }
0xe1: {  	[sflag:s16] =	ssyncadd.s32 $0xFFFFFB00  }
0xe2: {  	_ =	sfence.sel $0x180000  }
0xe3: {  	[bflag:$0x0] =	sbarrier.arrive $0xFFFF  }
0xe4: {  	_ =	strace $0x90000047  }
0xe5: {  	s0 =	stileid.u32;
	[bflag:$0x2] =	sbarrier.arrive $0xFFFF  }
0xe6: {  	p0 =	sne.s32 s0, $0x0;
	s0 =	rddreg [dreg:$0x4]  }
0xe7: {  	s0 =	sadd.s32 @!p0 $0x100000, s0  }
0xe8: {  	[sflag:s0] =	ssyncadd.tile.s32 @!p0 $0x1;
	_ =	shalt  }
.Lfunc_end2:
_tile_overlayer_lowered:
.L_overlay_start_2:
0xe9: {  	(tag) =	ssettag $0x2  }
0xea: {  	s0 =	rddreg [dreg:$0x0];
	s2 =	stileid.u32  }
0xeb: {  	s1 =	rddreg [dreg:$0x1];
	p0 =	sne.s32 s2, $0x0  }
0xec: {  	s3 =	rddreg [dreg:$0x2];
	[bflag:$0x3] =	sbarrier.arrive $0xFFFF;
	s2 =	simm.s32 @!p0 $0x1C02  }
0xed: {  	[timem:s3], [sflag:s2] =	dma.local @!p0 [hbm:s0], s1  }
0xee: {  	s0 =	simm.s32 @!p0 $0x2  }
0xef: {  	_ =	swait.ge @!p0 [sflag:s0], s1  }
0xf0: {  	s1 =	ssub.s32 @!p0 $0x0, s1;
	[sflag:s0] =	ssyncset.done @!p0 $0x0  }
0xf1: {  	[sflag:s0] =	ssyncadd.s32 @!p0 s1  }
0xf2: {  	[bflag:$0x3] =	sbarrier.arrive $0xFFFF  }
0xf3: {  	_ =	shalt  }

</sc_bundles>
